<compile_context>
chip_gen: v7x
topology: tpu7x:2x2x1
jax: 0.10.2.dev20260603
libtpu: 0.0.44.dev20260713+nightly
codegen_flags: <defaults>
</compile_context>

<pallas_src>
import functools

import jax
import jax.numpy as jnp
from jax import lax
from jax.experimental import pallas as pl
from jax.experimental.pallas import tpu as pltpu
from jax.experimental.pallas import tpu_sc as plsc

N_NODES = 10000
N_EDGES = 320000
D = 128

NC = 2
NS = 16
NW = NC * NS
E_PER_W = N_EDGES // NW
CHUNK = 125
N_STEPS = E_PER_W // CHUNK
N_QUADS = N_STEPS // 4
N_DUOS = N_QUADS // 2
N_PAD = 10240
ROWS_PER_S = N_PAD // NS
RZ = 80


def _sc_aggregate(feat, edge_il):
    mesh = plsc.VectorSubcoreMesh(core_axis_name="c", subcore_axis_name="s")

    @functools.partial(
        pl.kernel,
        mesh=mesh,
        out_type=jax.ShapeDtypeStruct((NC * N_PAD, D), jnp.float32),
        scratch_types=[
            pltpu.VMEM((4, 2, CHUNK), jnp.int32),
            pltpu.VMEM((4, 2, CHUNK), jnp.int32),
            pltpu.VMEM((CHUNK, D), jnp.float32),
            pltpu.VMEM((CHUNK, D), jnp.float32),
            pltpu.VMEM_SHARED((N_PAD, D), jnp.float32),
            pltpu.SemaphoreType.DMA,
            pltpu.SemaphoreType.DMA,
            pltpu.SemaphoreType.DMA,
        ],
    )
    def agg_kernel(feat_hbm, idx_hbm, out_hbm,
                   idx_p, idx_q, rows_a, rows_b, acc, sa, sb, isem):
        c = lax.axis_index("c")
        s = lax.axis_index("s")
        wid = c * NS + s

        pltpu.sync_copy(idx_hbm.at[wid, 0], idx_p)
        zero16 = jnp.zeros((16,), jnp.float32)

        def zero_row(i, carry):
            for j in range(D // 16):
                rows_a[i, pl.ds(j * 16, 16)] = zero16
            return carry

        lax.fori_loop(0, RZ, zero_row, 0)
        zsrc = rows_a.at[pl.ds(0, RZ)]
        nz = ROWS_PER_S // RZ
        for k in range(nz):
            pltpu.async_copy(
                zsrc, acc.at[pl.ds(s * ROWS_PER_S + k * RZ, RZ)], isem)
        for k in range(nz):
            pltpu.make_async_copy(
                zsrc, acc.at[pl.ds(s * ROWS_PER_S, RZ)], isem).wait()

        pltpu.async_copy(feat_hbm.at[idx_p.at[0, 0]], rows_a, sa)
        pltpu.async_copy(feat_hbm.at[idx_p.at[1, 0]], rows_b, sb)
        plsc.subcore_barrier()

        bufs = (rows_a, rows_b)
        sems = (sa, sb)

        def run_quad(idx_cur, idx_nxt, have_next):
            for j in range(4):
                buf, sem = bufs[j % 2], sems[j % 2]
                pltpu.make_async_copy(
                    feat_hbm.at[idx_cur.at[0, 0]], buf, sem).wait()
                pltpu.sync_copy(buf, acc.at[idx_cur.at[j, 1]], add=True)
                if j < 2:
                    pltpu.async_copy(
                        feat_hbm.at[idx_cur.at[j + 2, 0]], buf, sem)
                else:
                    @pl.when(have_next)
                    def _(j=j):
                        if j == 2:
                            pltpu.make_async_copy(
                                idx_hbm.at[wid, 0], idx_nxt, isem).wait()
                        pltpu.async_copy(
                            feat_hbm.at[idx_nxt.at[j - 2, 0]], buf, sem)

        def duo(k, carry):
            q0 = 2 * k
            pltpu.async_copy(idx_hbm.at[wid, q0 + 1], idx_q, isem)
            run_quad(idx_p, idx_q, q0 + 1 < N_QUADS)

            @pl.when(q0 + 2 < N_QUADS)
            def _():
                pltpu.async_copy(idx_hbm.at[wid, q0 + 2], idx_p, isem)

            run_quad(idx_q, idx_p, q0 + 2 < N_QUADS)
            return carry

        lax.fori_loop(0, N_DUOS, duo, 0)
        plsc.subcore_barrier()

        obufs = (rows_a.at[pl.ds(0, RZ)], rows_b.at[pl.ds(0, RZ)])
        for k in range(ROWS_PER_S // RZ):
            ob, sem = obufs[k % 2], sems[k % 2]
            if k >= 2:
                pltpu.make_async_copy(
                    ob, out_hbm.at[pl.ds(c * N_PAD, RZ)], sem).wait()
            rr = s * ROWS_PER_S + k * RZ
            pltpu.sync_copy(acc.at[pl.ds(rr, RZ)], ob)
            pltpu.async_copy(ob, out_hbm.at[pl.ds(c * N_PAD + rr, RZ)], sem)
        for k in range(2):
            pltpu.make_async_copy(
                obufs[k], out_hbm.at[pl.ds(c * N_PAD, RZ)], sems[k]).wait()

    return agg_kernel(feat, edge_il)


def _tc_body(p_ref, f_ref, wn_ref, ws_ref, b_ref, o_ref):
    agg = p_ref[0] + p_ref[1]
    o_ref[...] = (
        jnp.dot(agg, wn_ref[...], preferred_element_type=jnp.float32)
        + jnp.dot(f_ref[...], ws_ref[...], preferred_element_type=jnp.float32)
        + b_ref[...]
    )


def kernel(feat, edge_index, W_neigh, b_neigh, W_self):
    edge_il = edge_index.astype(jnp.int32) \
        .reshape(2, NW, N_QUADS, 4, CHUNK).transpose(1, 2, 3, 0, 4)

    partials = _sc_aggregate(feat, edge_il).reshape(NC, N_PAD, D)

    B = 1000
    out = pl.pallas_call(
        _tc_body,
        grid=(N_NODES // B,),
        in_specs=[
            pl.BlockSpec((NC, B, D), lambda i: (0, i, 0)),
            pl.BlockSpec((B, D), lambda i: (i, 0)),
            pl.BlockSpec((D, D), lambda i: (0, 0)),
            pl.BlockSpec((D, D), lambda i: (0, 0)),
            pl.BlockSpec((1, D), lambda i: (0, 0)),
        ],
        out_specs=pl.BlockSpec((B, D), lambda i: (i, 0)),
        out_shape=jax.ShapeDtypeStruct((N_NODES, D), jnp.float32),
    )(partials, feat, W_neigh, W_self, b_neigh.reshape(1, D))
    return out

# --- scband reference (transcript-rebuilt; emitter-appended) ---
"""Pipeline reference for scband-graph-conv-wl-26560077758774 (READ-ONLY COPY).

The authoritative reference and input builder live on the scoring server;
editing this copy changes nothing except your own understanding.
"""

import jax, jax.numpy as jnp
import numpy as np

N_NODES = 10000
N_EDGES = 320000
D_IN = 128
D_OUT = 128


def setup_inputs(seed: int = 0) -> dict:
    key = jax.random.key(seed)
    k1, k2, k3, k4 = jax.random.split(key, 4)
    feat = jax.random.normal(k1, (N_NODES, D_IN), dtype=jnp.float32)
    edge_index = jax.random.randint(k2, (2, N_EDGES), 0, N_NODES)
    # Learned parameters
    # conv_from_neigh: GraphConv(norm='none', weight=True, bias=True)
    W_neigh = jax.random.normal(k3, (D_IN, D_OUT), dtype=jnp.float32) * (1.0 / np.sqrt(D_IN))
    b_neigh = jnp.zeros((D_OUT,), dtype=jnp.float32)
    # conv_from_self: Linear(bias=False)
    W_self = jax.random.normal(k4, (D_IN, D_OUT), dtype=jnp.float32) * (1.0 / np.sqrt(D_IN))
    return {"feat": feat, "edge_index": edge_index, "W_neigh": W_neigh, "b_neigh": b_neigh, "W_self": W_self}


def reference(feat, edge_index, W_neigh, b_neigh, W_self):
    # DGL GraphConv with norm='none': sum-aggregate source features into dst nodes,
    # then apply linear weight + bias. edge_weight is None (default).
    src = edge_index[0]
    dst = edge_index[1]
    msg = jnp.take(feat, src, axis=0)                 # gather: [E, D_IN]
    agg = jax.ops.segment_sum(msg, dst, num_segments=feat.shape[0])  # scatter-add: [N, D_IN]
    neigh_feat = agg @ W_neigh + b_neigh              # [N, D_OUT]
    self_feat = feat @ W_self                         # [N, D_OUT]
    return neigh_feat + self_feat

if __name__ == "__main__":
    import jax
    _d = setup_inputs()
    print(jax.jit(kernel)(*tuple(_d.values())))

</pallas_src>

<mosaic_0001>
#map = affine_map<(d0, d1) -> (0, 0)>
#map1 = affine_map<(d0, d1) -> (0, 0, 0, 0, 0)>
module attributes {stable_mosaic.version = 14 : i64} {
  func.func @agg_kernel(%arg0: i32, %arg1: i32, %arg2: memref<10000x128xf32, #tpu.memory_space<hbm>>, %arg3: memref<32x20x4x2x125xi32, #tpu.memory_space<hbm>>, %arg4: memref<20480x128xf32, #tpu.memory_space<hbm>>, %arg5: memref<4x2x125xi32, #tpu.memory_space<vmem>>, %arg6: memref<4x2x125xi32, #tpu.memory_space<vmem>>, %arg7: memref<125x128xf32, #tpu.memory_space<vmem>>, %arg8: memref<125x128xf32, #tpu.memory_space<vmem>>, %arg9: memref<10240x128xf32, #tpu.memory_space<vmem_shared>>, %arg10: memref<!tpu.dma_semaphore, #tpu.memory_space<semaphore_mem>>, %arg11: memref<!tpu.dma_semaphore, #tpu.memory_space<semaphore_mem>>, %arg12: memref<!tpu.dma_semaphore, #tpu.memory_space<semaphore_mem>>) attributes {dimension_semantics = [#tpu.dimension_semantics<core_parallel>, #tpu.dimension_semantics<subcore_parallel>], iteration_bounds = array<i64: 2, 16>, scalar_prefetch = 0 : i64, scratch_operands = 8 : i64, tpu.core_type = #tpu.core_type<sc_vector_subcore>, window_params = [{transform_indices = #map}, {transform_indices = #map1}, {transform_indices = #map}]} {
    %mul3A = arith.constant 16 : i32
    %mul3A_0 = arith.muli %arg0, %mul3A : i32
    %add3A = arith.addi %mul3A_0, %arg1 : i32
    %run_scoped3A = arith.constant 0 : i32
    "tpu.region"() ({
      %run_scoped3A_468 = tpu.sem_alloc : memref<!tpu.dma_semaphore, #tpu.memory_space<semaphore_mem>>
      %dma_start3A_469 = arith.constant 0 : i32
      %dma_start3A_470 = arith.constant 0 : i32
      %dma_start3A_471 = arith.constant 0 : i32
      %dma_start3A_472 = tpu.memref_slice %arg3[%add3A, %run_scoped3A, %dma_start3A_469, %dma_start3A_470, %dma_start3A_471] : memref<32x20x4x2x125xi32, #tpu.memory_space<hbm>> -> memref<1x1x4x2x125xi32, #tpu.memory_space<hbm>>
      %dma_start3A_473 = tpu.memref_squeeze %dma_start3A_472 : memref<1x1x4x2x125xi32, #tpu.memory_space<hbm>> -> memref<4x2x125xi32, #tpu.memory_space<hbm>>
      %dma_start3A_474 = arith.constant 0 : i32
      %dma_start3A_475 = arith.constant 0 : i32
      %dma_start3A_476 = arith.constant 0 : i32
      %dma_start3A_477 = tpu.memref_slice %arg3[%add3A, %run_scoped3A, %dma_start3A_474, %dma_start3A_475, %dma_start3A_476] : memref<32x20x4x2x125xi32, #tpu.memory_space<hbm>> -> memref<1x1x4x2x125xi32, #tpu.memory_space<hbm>>
      %dma_start3A_478 = tpu.memref_squeeze %dma_start3A_477 : memref<1x1x4x2x125xi32, #tpu.memory_space<hbm>> -> memref<4x2x125xi32, #tpu.memory_space<hbm>>
      tpu.enqueue_dma source(%dma_start3A_478 : memref<4x2x125xi32, #tpu.memory_space<hbm>>) target(%arg5 : memref<4x2x125xi32, #tpu.memory_space<vmem>>) target_semaphore(%run_scoped3A_468 : memref<!tpu.dma_semaphore, #tpu.memory_space<semaphore_mem>>)
      %dma_wait3A_479 = arith.constant 0 : i32
      %dma_wait3A_480 = arith.constant 0 : i32
      %dma_wait3A_481 = arith.constant 0 : i32
      %dma_wait3A_482 = tpu.memref_slice %arg3[%add3A, %run_scoped3A, %dma_wait3A_479, %dma_wait3A_480, %dma_wait3A_481] : memref<32x20x4x2x125xi32, #tpu.memory_space<hbm>> -> memref<1x1x4x2x125xi32, #tpu.memory_space<hbm>>
      %dma_wait3A_483 = tpu.memref_squeeze %dma_wait3A_482 : memref<1x1x4x2x125xi32, #tpu.memory_space<hbm>> -> memref<4x2x125xi32, #tpu.memory_space<hbm>>
      %dma_wait3A_484 = arith.constant 0 : i32
      %dma_wait3A_485 = arith.constant 0 : i32
      %dma_wait3A_486 = arith.constant 0 : i32
      %dma_wait3A_487 = tpu.memref_slice %arg3[%add3A, %run_scoped3A, %dma_wait3A_484, %dma_wait3A_485, %dma_wait3A_486] : memref<32x20x4x2x125xi32, #tpu.memory_space<hbm>> -> memref<1x1x4x2x125xi32, #tpu.memory_space<hbm>>
      %dma_wait3A_488 = tpu.memref_squeeze %dma_wait3A_487 : memref<1x1x4x2x125xi32, #tpu.memory_space<hbm>> -> memref<4x2x125xi32, #tpu.memory_space<hbm>>
      tpu.wait_dma2 semaphore(%run_scoped3A_468 : memref<!tpu.dma_semaphore, #tpu.memory_space<semaphore_mem>>) src(%dma_wait3A_488 : memref<4x2x125xi32, #tpu.memory_space<hbm>>) dst(%arg5 : memref<4x2x125xi32, #tpu.memory_space<vmem>>)
      tpu.yield
    }) : () -> ()
    %broadcast_in_dim3A = arith.constant 0.000000e+00 : f32
    %broadcast_in_dim3A_1 = vector.broadcast %broadcast_in_dim3A : f32 to vector<16xf32>
    %scan3A = arith.constant 0 : i32
    %scan3A_2 = arith.constant 0 : i32
    %scan3A_3 = arith.constant 80 : i32
    %scan3A_4 = arith.addi %scan3A_2, %scan3A_3 : i32
    %scan3A_5 = arith.constant 1 : i32
    scf.for %scan3A_468 = %scan3A_2 to %scan3A_4 step %scan3A_5  : i32 {
      %swap3A = arith.index_cast %scan3A_468 : i32 to index
      %swap3A_469 = arith.constant 0 : index
      %swap3A_470 = tpu.vector_load %arg7[%swap3A, %swap3A_469] {strides = array<i32>} : memref<125x128xf32, #tpu.memory_space<vmem>>, vector<1x16xf32>,
      %swap3A_471 = vector.shape_cast %swap3A_470 : vector<1x16xf32> to vector<16xf32>
      %swap3A_472 = vector.shape_cast %broadcast_in_dim3A_1 : vector<16xf32> to vector<1x16xf32>
      tpu.vector_store %arg7[%swap3A, %swap3A_469], %swap3A_472 {strides = array<i32>} : memref<125x128xf32, #tpu.memory_space<vmem>>, vector<1x16xf32>,
      %swap3A_473 = arith.index_cast %scan3A_468 : i32 to index
      %swap3A_474 = arith.constant 16 : index
      %swap3A_475 = tpu.vector_load %arg7[%swap3A_473, %swap3A_474] {strides = array<i32>} : memref<125x128xf32, #tpu.memory_space<vmem>>, vector<1x16xf32>,
      %swap3A_476 = vector.shape_cast %swap3A_475 : vector<1x16xf32> to vector<16xf32>
      %swap3A_477 = vector.shape_cast %broadcast_in_dim3A_1 : vector<16xf32> to vector<1x16xf32>
      tpu.vector_store %arg7[%swap3A_473, %swap3A_474], %swap3A_477 {strides = array<i32>} : memref<125x128xf32, #tpu.memory_space<vmem>>, vector<1x16xf32>,
      %swap3A_478 = arith.index_cast %scan3A_468 : i32 to index
      %swap3A_479 = arith.constant 32 : index
      %swap3A_480 = tpu.vector_load %arg7[%swap3A_478, %swap3A_479] {strides = array<i32>} : memref<125x128xf32, #tpu.memory_space<vmem>>, vector<1x16xf32>,
      %swap3A_481 = vector.shape_cast %swap3A_480 : vector<1x16xf32> to vector<16xf32>
      %swap3A_482 = vector.shape_cast %broadcast_in_dim3A_1 : vector<16xf32> to vector<1x16xf32>
      tpu.vector_store %arg7[%swap3A_478, %swap3A_479], %swap3A_482 {strides = array<i32>} : memref<125x128xf32, #tpu.memory_space<vmem>>, vector<1x16xf32>,
      %swap3A_483 = arith.index_cast %scan3A_468 : i32 to index
      %swap3A_484 = arith.constant 48 : index
      %swap3A_485 = tpu.vector_load %arg7[%swap3A_483, %swap3A_484] {strides = array<i32>} : memref<125x128xf32, #tpu.memory_space<vmem>>, vector<1x16xf32>,
      %swap3A_486 = vector.shape_cast %swap3A_485 : vector<1x16xf32> to vector<16xf32>
      %swap3A_487 = vector.shape_cast %broadcast_in_dim3A_1 : vector<16xf32> to vector<1x16xf32>
      tpu.vector_store %arg7[%swap3A_483, %swap3A_484], %swap3A_487 {strides = array<i32>} : memref<125x128xf32, #tpu.memory_space<vmem>>, vector<1x16xf32>,
      %swap3A_488 = arith.index_cast %scan3A_468 : i32 to index
      %swap3A_489 = arith.constant 64 : index
      %swap3A_490 = tpu.vector_load %arg7[%swap3A_488, %swap3A_489] {strides = array<i32>} : memref<125x128xf32, #tpu.memory_space<vmem>>, vector<1x16xf32>,
      %swap3A_491 = vector.shape_cast %swap3A_490 : vector<1x16xf32> to vector<16xf32>
      %swap3A_492 = vector.shape_cast %broadcast_in_dim3A_1 : vector<16xf32> to vector<1x16xf32>
      tpu.vector_store %arg7[%swap3A_488, %swap3A_489], %swap3A_492 {strides = array<i32>} : memref<125x128xf32, #tpu.memory_space<vmem>>, vector<1x16xf32>,
      %swap3A_493 = arith.index_cast %scan3A_468 : i32 to index
      %swap3A_494 = arith.constant 80 : index
      %swap3A_495 = tpu.vector_load %arg7[%swap3A_493, %swap3A_494] {strides = array<i32>} : memref<125x128xf32, #tpu.memory_space<vmem>>, vector<1x16xf32>,
      %swap3A_496 = vector.shape_cast %swap3A_495 : vector<1x16xf32> to vector<16xf32>
      %swap3A_497 = vector.shape_cast %broadcast_in_dim3A_1 : vector<16xf32> to vector<1x16xf32>
      tpu.vector_store %arg7[%swap3A_493, %swap3A_494], %swap3A_497 {strides = array<i32>} : memref<125x128xf32, #tpu.memory_space<vmem>>, vector<1x16xf32>,
      %swap3A_498 = arith.index_cast %scan3A_468 : i32 to index
      %swap3A_499 = arith.constant 96 : index
      %swap3A_500 = tpu.vector_load %arg7[%swap3A_498, %swap3A_499] {strides = array<i32>} : memref<125x128xf32, #tpu.memory_space<vmem>>, vector<1x16xf32>,
      %swap3A_501 = vector.shape_cast %swap3A_500 : vector<1x16xf32> to vector<16xf32>
      %swap3A_502 = vector.shape_cast %broadcast_in_dim3A_1 : vector<16xf32> to vector<1x16xf32>
      tpu.vector_store %arg7[%swap3A_498, %swap3A_499], %swap3A_502 {strides = array<i32>} : memref<125x128xf32, #tpu.memory_space<vmem>>, vector<1x16xf32>,
      %swap3A_503 = arith.index_cast %scan3A_468 : i32 to index
      %swap3A_504 = arith.constant 112 : index
      %swap3A_505 = tpu.vector_load %arg7[%swap3A_503, %swap3A_504] {strides = array<i32>} : memref<125x128xf32, #tpu.memory_space<vmem>>, vector<1x16xf32>,
      %swap3A_506 = vector.shape_cast %swap3A_505 : vector<1x16xf32> to vector<16xf32>
      %swap3A_507 = vector.shape_cast %broadcast_in_dim3A_1 : vector<16xf32> to vector<1x16xf32>
      tpu.vector_store %arg7[%swap3A_503, %swap3A_504], %swap3A_507 {strides = array<i32>} : memref<125x128xf32, #tpu.memory_space<vmem>>, vector<1x16xf32>,
    }
    %scan3A_6 = arith.constant 80 : i32
    %mul3A_7 = arith.constant 640 : i32
    %mul3A_8 = arith.muli %arg1, %mul3A_7 : i32
    %add3A_9 = arith.constant 0 : i32
    %add3A_10 = arith.addi %mul3A_8, %add3A_9 : i32
    %dma_start3A = arith.constant 0 : i32
    %dma_start3A_11 = arith.constant 0 : i32
    %dma_start3A_12 = tpu.memref_slice %arg7[%dma_start3A, %dma_start3A_11] : memref<125x128xf32, #tpu.memory_space<vmem>> -> memref<80x128xf32, #tpu.memory_space<vmem>>
    %dma_start3A_13 = arith.constant 0 : i32
    %dma_start3A_14 = tpu.memref_slice %arg9[%add3A_10, %dma_start3A_13] : memref<10240x128xf32, #tpu.memory_space<vmem_shared>> -> memref<80x128xf32, #tpu.memory_space<vmem_shared>>
    %dma_start3A_15 = arith.constant 0 : i32
    %dma_start3A_16 = tpu.memref_slice %arg9[%add3A_10, %dma_start3A_15] : memref<10240x128xf32, #tpu.memory_space<vmem_shared>> -> memref<80x128xf32, #tpu.memory_space<vmem_shared>>
    %dma_start3A_17 = arith.constant 0 : i32
    %dma_start3A_18 = arith.constant 0 : i32
    %dma_start3A_19 = tpu.memref_slice %arg7[%dma_start3A_17, %dma_start3A_18] : memref<125x128xf32, #tpu.memory_space<vmem>> -> memref<80x128xf32, #tpu.memory_space<vmem>>
    tpu.enqueue_dma source(%dma_start3A_19 : memref<80x128xf32, #tpu.memory_space<vmem>>) target(%dma_start3A_16 : memref<80x128xf32, #tpu.memory_space<vmem_shared>>) target_semaphore(%arg12 : memref<!tpu.dma_semaphore, #tpu.memory_space<semaphore_mem>>)
    %mul3A_20 = arith.constant 640 : i32
    %mul3A_21 = arith.muli %arg1, %mul3A_20 : i32
    %add3A_22 = arith.constant 80 : i32
    %add3A_23 = arith.addi %mul3A_21, %add3A_22 : i32
    %dma_start3A_24 = arith.constant 0 : i32
    %dma_start3A_25 = arith.constant 0 : i32
    %dma_start3A_26 = tpu.memref_slice %arg7[%dma_start3A_24, %dma_start3A_25] : memref<125x128xf32, #tpu.memory_space<vmem>> -> memref<80x128xf32, #tpu.memory_space<vmem>>
    %dma_start3A_27 = arith.constant 0 : i32
    %dma_start3A_28 = tpu.memref_slice %arg9[%add3A_23, %dma_start3A_27] : memref<10240x128xf32, #tpu.memory_space<vmem_shared>> -> memref<80x128xf32, #tpu.memory_space<vmem_shared>>
    %dma_start3A_29 = arith.constant 0 : i32
    %dma_start3A_30 = tpu.memref_slice %arg9[%add3A_23, %dma_start3A_29] : memref<10240x128xf32, #tpu.memory_space<vmem_shared>> -> memref<80x128xf32, #tpu.memory_space<vmem_shared>>
    %dma_start3A_31 = arith.constant 0 : i32
    %dma_start3A_32 = arith.constant 0 : i32
    %dma_start3A_33 = tpu.memref_slice %arg7[%dma_start3A_31, %dma_start3A_32] : memref<125x128xf32, #tpu.memory_space<vmem>> -> memref<80x128xf32, #tpu.memory_space<vmem>>
    tpu.enqueue_dma source(%dma_start3A_33 : memref<80x128xf32, #tpu.memory_space<vmem>>) target(%dma_start3A_30 : memref<80x128xf32, #tpu.memory_space<vmem_shared>>) target_semaphore(%arg12 : memref<!tpu.dma_semaphore, #tpu.memory_space<semaphore_mem>>)
    %mul3A_34 = arith.constant 640 : i32
    %mul3A_35 = arith.muli %arg1, %mul3A_34 : i32
    %add3A_36 = arith.constant 160 : i32
    %add3A_37 = arith.addi %mul3A_35, %add3A_36 : i32
    %dma_start3A_38 = arith.constant 0 : i32
    %dma_start3A_39 = arith.constant 0 : i32
    %dma_start3A_40 = tpu.memref_slice %arg7[%dma_start3A_38, %dma_start3A_39] : memref<125x128xf32, #tpu.memory_space<vmem>> -> memref<80x128xf32, #tpu.memory_space<vmem>>
    %dma_start3A_41 = arith.constant 0 : i32
    %dma_start3A_42 = tpu.memref_slice %arg9[%add3A_37, %dma_start3A_41] : memref<10240x128xf32, #tpu.memory_space<vmem_shared>> -> memref<80x128xf32, #tpu.memory_space<vmem_shared>>
    %dma_start3A_43 = arith.constant 0 : i32
    %dma_start3A_44 = tpu.memref_slice %arg9[%add3A_37, %dma_start3A_43] : memref<10240x128xf32, #tpu.memory_space<vmem_shared>> -> memref<80x128xf32, #tpu.memory_space<vmem_shared>>
    %dma_start3A_45 = arith.constant 0 : i32
    %dma_start3A_46 = arith.constant 0 : i32
    %dma_start3A_47 = tpu.memref_slice %arg7[%dma_start3A_45, %dma_start3A_46] : memref<125x128xf32, #tpu.memory_space<vmem>> -> memref<80x128xf32, #tpu.memory_space<vmem>>
    tpu.enqueue_dma source(%dma_start3A_47 : memref<80x128xf32, #tpu.memory_space<vmem>>) target(%dma_start3A_44 : memref<80x128xf32, #tpu.memory_space<vmem_shared>>) target_semaphore(%arg12 : memref<!tpu.dma_semaphore, #tpu.memory_space<semaphore_mem>>)
    %mul3A_48 = arith.constant 640 : i32
    %mul3A_49 = arith.muli %arg1, %mul3A_48 : i32
    %add3A_50 = arith.constant 240 : i32
    %add3A_51 = arith.addi %mul3A_49, %add3A_50 : i32
    %dma_start3A_52 = arith.constant 0 : i32
    %dma_start3A_53 = arith.constant 0 : i32
    %dma_start3A_54 = tpu.memref_slice %arg7[%dma_start3A_52, %dma_start3A_53] : memref<125x128xf32, #tpu.memory_space<vmem>> -> memref<80x128xf32, #tpu.memory_space<vmem>>
    %dma_start3A_55 = arith.constant 0 : i32
    %dma_start3A_56 = tpu.memref_slice %arg9[%add3A_51, %dma_start3A_55] : memref<10240x128xf32, #tpu.memory_space<vmem_shared>> -> memref<80x128xf32, #tpu.memory_space<vmem_shared>>
    %dma_start3A_57 = arith.constant 0 : i32
    %dma_start3A_58 = tpu.memref_slice %arg9[%add3A_51, %dma_start3A_57] : memref<10240x128xf32, #tpu.memory_space<vmem_shared>> -> memref<80x128xf32, #tpu.memory_space<vmem_shared>>
    %dma_start3A_59 = arith.constant 0 : i32
    %dma_start3A_60 = arith.constant 0 : i32
    %dma_start3A_61 = tpu.memref_slice %arg7[%dma_start3A_59, %dma_start3A_60] : memref<125x128xf32, #tpu.memory_space<vmem>> -> memref<80x128xf32, #tpu.memory_space<vmem>>
    tpu.enqueue_dma source(%dma_start3A_61 : memref<80x128xf32, #tpu.memory_space<vmem>>) target(%dma_start3A_58 : memref<80x128xf32, #tpu.memory_space<vmem_shared>>) target_semaphore(%arg12 : memref<!tpu.dma_semaphore, #tpu.memory_space<semaphore_mem>>)
    %mul3A_62 = arith.constant 640 : i32
    %mul3A_63 = arith.muli %arg1, %mul3A_62 : i32
    %add3A_64 = arith.constant 320 : i32
    %add3A_65 = arith.addi %mul3A_63, %add3A_64 : i32
    %dma_start3A_66 = arith.constant 0 : i32
    %dma_start3A_67 = arith.constant 0 : i32
    %dma_start3A_68 = tpu.memref_slice %arg7[%dma_start3A_66, %dma_start3A_67] : memref<125x128xf32, #tpu.memory_space<vmem>> -> memref<80x128xf32, #tpu.memory_space<vmem>>
    %dma_start3A_69 = arith.constant 0 : i32
    %dma_start3A_70 = tpu.memref_slice %arg9[%add3A_65, %dma_start3A_69] : memref<10240x128xf32, #tpu.memory_space<vmem_shared>> -> memref<80x128xf32, #tpu.memory_space<vmem_shared>>
    %dma_start3A_71 = arith.constant 0 : i32
    %dma_start3A_72 = tpu.memref_slice %arg9[%add3A_65, %dma_start3A_71] : memref<10240x128xf32, #tpu.memory_space<vmem_shared>> -> memref<80x128xf32, #tpu.memory_space<vmem_shared>>
    %dma_start3A_73 = arith.constant 0 : i32
    %dma_start3A_74 = arith.constant 0 : i32
    %dma_start3A_75 = tpu.memref_slice %arg7[%dma_start3A_73, %dma_start3A_74] : memref<125x128xf32, #tpu.memory_space<vmem>> -> memref<80x128xf32, #tpu.memory_space<vmem>>
    tpu.enqueue_dma source(%dma_start3A_75 : memref<80x128xf32, #tpu.memory_space<vmem>>) target(%dma_start3A_72 : memref<80x128xf32, #tpu.memory_space<vmem_shared>>) target_semaphore(%arg12 : memref<!tpu.dma_semaphore, #tpu.memory_space<semaphore_mem>>)
    %mul3A_76 = arith.constant 640 : i32
    %mul3A_77 = arith.muli %arg1, %mul3A_76 : i32
    %add3A_78 = arith.constant 400 : i32
    %add3A_79 = arith.addi %mul3A_77, %add3A_78 : i32
    %dma_start3A_80 = arith.constant 0 : i32
    %dma_start3A_81 = arith.constant 0 : i32
    %dma_start3A_82 = tpu.memref_slice %arg7[%dma_start3A_80, %dma_start3A_81] : memref<125x128xf32, #tpu.memory_space<vmem>> -> memref<80x128xf32, #tpu.memory_space<vmem>>
    %dma_start3A_83 = arith.constant 0 : i32
    %dma_start3A_84 = tpu.memref_slice %arg9[%add3A_79, %dma_start3A_83] : memref<10240x128xf32, #tpu.memory_space<vmem_shared>> -> memref<80x128xf32, #tpu.memory_space<vmem_shared>>
    %dma_start3A_85 = arith.constant 0 : i32
    %dma_start3A_86 = tpu.memref_slice %arg9[%add3A_79, %dma_start3A_85] : memref<10240x128xf32, #tpu.memory_space<vmem_shared>> -> memref<80x128xf32, #tpu.memory_space<vmem_shared>>
    %dma_start3A_87 = arith.constant 0 : i32
    %dma_start3A_88 = arith.constant 0 : i32
    %dma_start3A_89 = tpu.memref_slice %arg7[%dma_start3A_87, %dma_start3A_88] : memref<125x128xf32, #tpu.memory_space<vmem>> -> memref<80x128xf32, #tpu.memory_space<vmem>>
    tpu.enqueue_dma source(%dma_start3A_89 : memref<80x128xf32, #tpu.memory_space<vmem>>) target(%dma_start3A_86 : memref<80x128xf32, #tpu.memory_space<vmem_shared>>) target_semaphore(%arg12 : memref<!tpu.dma_semaphore, #tpu.memory_space<semaphore_mem>>)
    %mul3A_90 = arith.constant 640 : i32
    %mul3A_91 = arith.muli %arg1, %mul3A_90 : i32
    %add3A_92 = arith.constant 480 : i32
    %add3A_93 = arith.addi %mul3A_91, %add3A_92 : i32
    %dma_start3A_94 = arith.constant 0 : i32
    %dma_start3A_95 = arith.constant 0 : i32
    %dma_start3A_96 = tpu.memref_slice %arg7[%dma_start3A_94, %dma_start3A_95] : memref<125x128xf32, #tpu.memory_space<vmem>> -> memref<80x128xf32, #tpu.memory_space<vmem>>
    %dma_start3A_97 = arith.constant 0 : i32
    %dma_start3A_98 = tpu.memref_slice %arg9[%add3A_93, %dma_start3A_97] : memref<10240x128xf32, #tpu.memory_space<vmem_shared>> -> memref<80x128xf32, #tpu.memory_space<vmem_shared>>
    %dma_start3A_99 = arith.constant 0 : i32
    %dma_start3A_100 = tpu.memref_slice %arg9[%add3A_93, %dma_start3A_99] : memref<10240x128xf32, #tpu.memory_space<vmem_shared>> -> memref<80x128xf32, #tpu.memory_space<vmem_shared>>
    %dma_start3A_101 = arith.constant 0 : i32
    %dma_start3A_102 = arith.constant 0 : i32
    %dma_start3A_103 = tpu.memref_slice %arg7[%dma_start3A_101, %dma_start3A_102] : memref<125x128xf32, #tpu.memory_space<vmem>> -> memref<80x128xf32, #tpu.memory_space<vmem>>
    tpu.enqueue_dma source(%dma_start3A_103 : memref<80x128xf32, #tpu.memory_space<vmem>>) target(%dma_start3A_100 : memref<80x128xf32, #tpu.memory_space<vmem_shared>>) target_semaphore(%arg12 : memref<!tpu.dma_semaphore, #tpu.memory_space<semaphore_mem>>)
    %mul3A_104 = arith.constant 640 : i32
    %mul3A_105 = arith.muli %arg1, %mul3A_104 : i32
    %add3A_106 = arith.constant 560 : i32
    %add3A_107 = arith.addi %mul3A_105, %add3A_106 : i32
    %dma_start3A_108 = arith.constant 0 : i32
    %dma_start3A_109 = arith.constant 0 : i32
    %dma_start3A_110 = tpu.memref_slice %arg7[%dma_start3A_108, %dma_start3A_109] : memref<125x128xf32, #tpu.memory_space<vmem>> -> memref<80x128xf32, #tpu.memory_space<vmem>>
    %dma_start3A_111 = arith.constant 0 : i32
    %dma_start3A_112 = tpu.memref_slice %arg9[%add3A_107, %dma_start3A_111] : memref<10240x128xf32, #tpu.memory_space<vmem_shared>> -> memref<80x128xf32, #tpu.memory_space<vmem_shared>>
    %dma_start3A_113 = arith.constant 0 : i32
    %dma_start3A_114 = tpu.memref_slice %arg9[%add3A_107, %dma_start3A_113] : memref<10240x128xf32, #tpu.memory_space<vmem_shared>> -> memref<80x128xf32, #tpu.memory_space<vmem_shared>>
    %dma_start3A_115 = arith.constant 0 : i32
    %dma_start3A_116 = arith.constant 0 : i32
    %dma_start3A_117 = tpu.memref_slice %arg7[%dma_start3A_115, %dma_start3A_116] : memref<125x128xf32, #tpu.memory_space<vmem>> -> memref<80x128xf32, #tpu.memory_space<vmem>>
    tpu.enqueue_dma source(%dma_start3A_117 : memref<80x128xf32, #tpu.memory_space<vmem>>) target(%dma_start3A_114 : memref<80x128xf32, #tpu.memory_space<vmem_shared>>) target_semaphore(%arg12 : memref<!tpu.dma_semaphore, #tpu.memory_space<semaphore_mem>>)
    %mul3A_118 = arith.constant 640 : i32
    %mul3A_119 = arith.muli %arg1, %mul3A_118 : i32
    %dma_wait3A = arith.constant 0 : i32
    %dma_wait3A_120 = arith.constant 0 : i32
    %dma_wait3A_121 = tpu.memref_slice %arg7[%dma_wait3A, %dma_wait3A_120] : memref<125x128xf32, #tpu.memory_space<vmem>> -> memref<80x128xf32, #tpu.memory_space<vmem>>
    %dma_wait3A_122 = arith.constant 0 : i32
    %dma_wait3A_123 = tpu.memref_slice %arg9[%mul3A_119, %dma_wait3A_122] : memref<10240x128xf32, #tpu.memory_space<vmem_shared>> -> memref<80x128xf32, #tpu.memory_space<vmem_shared>>
    %dma_wait3A_124 = arith.constant 0 : i32
    %dma_wait3A_125 = tpu.memref_slice %arg9[%mul3A_119, %dma_wait3A_124] : memref<10240x128xf32, #tpu.memory_space<vmem_shared>> -> memref<80x128xf32, #tpu.memory_space<vmem_shared>>
    %dma_wait3A_126 = arith.constant 0 : i32
    %dma_wait3A_127 = arith.constant 0 : i32
    %dma_wait3A_128 = tpu.memref_slice %arg7[%dma_wait3A_126, %dma_wait3A_127] : memref<125x128xf32, #tpu.memory_space<vmem>> -> memref<80x128xf32, #tpu.memory_space<vmem>>
    tpu.wait_dma2 semaphore(%arg12 : memref<!tpu.dma_semaphore, #tpu.memory_space<semaphore_mem>>) src(%dma_wait3A_128 : memref<80x128xf32, #tpu.memory_space<vmem>>) dst(%dma_wait3A_125 : memref<80x128xf32, #tpu.memory_space<vmem_shared>>)
    %mul3A_129 = arith.constant 640 : i32
    %mul3A_130 = arith.muli %arg1, %mul3A_129 : i32
    %dma_wait3A_131 = arith.constant 0 : i32
    %dma_wait3A_132 = arith.constant 0 : i32
    %dma_wait3A_133 = tpu.memref_slice %arg7[%dma_wait3A_131, %dma_wait3A_132] : memref<125x128xf32, #tpu.memory_space<vmem>> -> memref<80x128xf32, #tpu.memory_space<vmem>>
    %dma_wait3A_134 = arith.constant 0 : i32
    %dma_wait3A_135 = tpu.memref_slice %arg9[%mul3A_130, %dma_wait3A_134] : memref<10240x128xf32, #tpu.memory_space<vmem_shared>> -> memref<80x128xf32, #tpu.memory_space<vmem_shared>>
    %dma_wait3A_136 = arith.constant 0 : i32
    %dma_wait3A_137 = tpu.memref_slice %arg9[%mul3A_130, %dma_wait3A_136] : memref<10240x128xf32, #tpu.memory_space<vmem_shared>> -> memref<80x128xf32, #tpu.memory_space<vmem_shared>>
    %dma_wait3A_138 = arith.constant 0 : i32
    %dma_wait3A_139 = arith.constant 0 : i32
    %dma_wait3A_140 = tpu.memref_slice %arg7[%dma_wait3A_138, %dma_wait3A_139] : memref<125x128xf32, #tpu.memory_space<vmem>> -> memref<80x128xf32, #tpu.memory_space<vmem>>
    tpu.wait_dma2 semaphore(%arg12 : memref<!tpu.dma_semaphore, #tpu.memory_space<semaphore_mem>>) src(%dma_wait3A_140 : memref<80x128xf32, #tpu.memory_space<vmem>>) dst(%dma_wait3A_137 : memref<80x128xf32, #tpu.memory_space<vmem_shared>>)
    %mul3A_141 = arith.constant 640 : i32
    %mul3A_142 = arith.muli %arg1, %mul3A_141 : i32
    %dma_wait3A_143 = arith.constant 0 : i32
    %dma_wait3A_144 = arith.constant 0 : i32
    %dma_wait3A_145 = tpu.memref_slice %arg7[%dma_wait3A_143, %dma_wait3A_144] : memref<125x128xf32, #tpu.memory_space<vmem>> -> memref<80x128xf32, #tpu.memory_space<vmem>>
    %dma_wait3A_146 = arith.constant 0 : i32
    %dma_wait3A_147 = tpu.memref_slice %arg9[%mul3A_142, %dma_wait3A_146] : memref<10240x128xf32, #tpu.memory_space<vmem_shared>> -> memref<80x128xf32, #tpu.memory_space<vmem_shared>>
    %dma_wait3A_148 = arith.constant 0 : i32
    %dma_wait3A_149 = tpu.memref_slice %arg9[%mul3A_142, %dma_wait3A_148] : memref<10240x128xf32, #tpu.memory_space<vmem_shared>> -> memref<80x128xf32, #tpu.memory_space<vmem_shared>>
    %dma_wait3A_150 = arith.constant 0 : i32
    %dma_wait3A_151 = arith.constant 0 : i32
    %dma_wait3A_152 = tpu.memref_slice %arg7[%dma_wait3A_150, %dma_wait3A_151] : memref<125x128xf32, #tpu.memory_space<vmem>> -> memref<80x128xf32, #tpu.memory_space<vmem>>
    tpu.wait_dma2 semaphore(%arg12 : memref<!tpu.dma_semaphore, #tpu.memory_space<semaphore_mem>>) src(%dma_wait3A_152 : memref<80x128xf32, #tpu.memory_space<vmem>>) dst(%dma_wait3A_149 : memref<80x128xf32, #tpu.memory_space<vmem_shared>>)
    %mul3A_153 = arith.constant 640 : i32
    %mul3A_154 = arith.muli %arg1, %mul3A_153 : i32
    %dma_wait3A_155 = arith.constant 0 : i32
    %dma_wait3A_156 = arith.constant 0 : i32
    %dma_wait3A_157 = tpu.memref_slice %arg7[%dma_wait3A_155, %dma_wait3A_156] : memref<125x128xf32, #tpu.memory_space<vmem>> -> memref<80x128xf32, #tpu.memory_space<vmem>>
    %dma_wait3A_158 = arith.constant 0 : i32
    %dma_wait3A_159 = tpu.memref_slice %arg9[%mul3A_154, %dma_wait3A_158] : memref<10240x128xf32, #tpu.memory_space<vmem_shared>> -> memref<80x128xf32, #tpu.memory_space<vmem_shared>>
    %dma_wait3A_160 = arith.constant 0 : i32
    %dma_wait3A_161 = tpu.memref_slice %arg9[%mul3A_154, %dma_wait3A_160] : memref<10240x128xf32, #tpu.memory_space<vmem_shared>> -> memref<80x128xf32, #tpu.memory_space<vmem_shared>>
    %dma_wait3A_162 = arith.constant 0 : i32
    %dma_wait3A_163 = arith.constant 0 : i32
    %dma_wait3A_164 = tpu.memref_slice %arg7[%dma_wait3A_162, %dma_wait3A_163] : memref<125x128xf32, #tpu.memory_space<vmem>> -> memref<80x128xf32, #tpu.memory_space<vmem>>
    tpu.wait_dma2 semaphore(%arg12 : memref<!tpu.dma_semaphore, #tpu.memory_space<semaphore_mem>>) src(%dma_wait3A_164 : memref<80x128xf32, #tpu.memory_space<vmem>>) dst(%dma_wait3A_161 : memref<80x128xf32, #tpu.memory_space<vmem_shared>>)
    %mul3A_165 = arith.constant 640 : i32
    %mul3A_166 = arith.muli %arg1, %mul3A_165 : i32
    %dma_wait3A_167 = arith.constant 0 : i32
    %dma_wait3A_168 = arith.constant 0 : i32
    %dma_wait3A_169 = tpu.memref_slice %arg7[%dma_wait3A_167, %dma_wait3A_168] : memref<125x128xf32, #tpu.memory_space<vmem>> -> memref<80x128xf32, #tpu.memory_space<vmem>>
    %dma_wait3A_170 = arith.constant 0 : i32
    %dma_wait3A_171 = tpu.memref_slice %arg9[%mul3A_166, %dma_wait3A_170] : memref<10240x128xf32, #tpu.memory_space<vmem_shared>> -> memref<80x128xf32, #tpu.memory_space<vmem_shared>>
    %dma_wait3A_172 = arith.constant 0 : i32
    %dma_wait3A_173 = tpu.memref_slice %arg9[%mul3A_166, %dma_wait3A_172] : memref<10240x128xf32, #tpu.memory_space<vmem_shared>> -> memref<80x128xf32, #tpu.memory_space<vmem_shared>>
    %dma_wait3A_174 = arith.constant 0 : i32
    %dma_wait3A_175 = arith.constant 0 : i32
    %dma_wait3A_176 = tpu.memref_slice %arg7[%dma_wait3A_174, %dma_wait3A_175] : memref<125x128xf32, #tpu.memory_space<vmem>> -> memref<80x128xf32, #tpu.memory_space<vmem>>
    tpu.wait_dma2 semaphore(%arg12 : memref<!tpu.dma_semaphore, #tpu.memory_space<semaphore_mem>>) src(%dma_wait3A_176 : memref<80x128xf32, #tpu.memory_space<vmem>>) dst(%dma_wait3A_173 : memref<80x128xf32, #tpu.memory_space<vmem_shared>>)
    %mul3A_177 = arith.constant 640 : i32
    %mul3A_178 = arith.muli %arg1, %mul3A_177 : i32
    %dma_wait3A_179 = arith.constant 0 : i32
    %dma_wait3A_180 = arith.constant 0 : i32
    %dma_wait3A_181 = tpu.memref_slice %arg7[%dma_wait3A_179, %dma_wait3A_180] : memref<125x128xf32, #tpu.memory_space<vmem>> -> memref<80x128xf32, #tpu.memory_space<vmem>>
    %dma_wait3A_182 = arith.constant 0 : i32
    %dma_wait3A_183 = tpu.memref_slice %arg9[%mul3A_178, %dma_wait3A_182] : memref<10240x128xf32, #tpu.memory_space<vmem_shared>> -> memref<80x128xf32, #tpu.memory_space<vmem_shared>>
    %dma_wait3A_184 = arith.constant 0 : i32
    %dma_wait3A_185 = tpu.memref_slice %arg9[%mul3A_178, %dma_wait3A_184] : memref<10240x128xf32, #tpu.memory_space<vmem_shared>> -> memref<80x128xf32, #tpu.memory_space<vmem_shared>>
    %dma_wait3A_186 = arith.constant 0 : i32
    %dma_wait3A_187 = arith.constant 0 : i32
    %dma_wait3A_188 = tpu.memref_slice %arg7[%dma_wait3A_186, %dma_wait3A_187] : memref<125x128xf32, #tpu.memory_space<vmem>> -> memref<80x128xf32, #tpu.memory_space<vmem>>
    tpu.wait_dma2 semaphore(%arg12 : memref<!tpu.dma_semaphore, #tpu.memory_space<semaphore_mem>>) src(%dma_wait3A_188 : memref<80x128xf32, #tpu.memory_space<vmem>>) dst(%dma_wait3A_185 : memref<80x128xf32, #tpu.memory_space<vmem_shared>>)
    %mul3A_189 = arith.constant 640 : i32
    %mul3A_190 = arith.muli %arg1, %mul3A_189 : i32
    %dma_wait3A_191 = arith.constant 0 : i32
    %dma_wait3A_192 = arith.constant 0 : i32
    %dma_wait3A_193 = tpu.memref_slice %arg7[%dma_wait3A_191, %dma_wait3A_192] : memref<125x128xf32, #tpu.memory_space<vmem>> -> memref<80x128xf32, #tpu.memory_space<vmem>>
    %dma_wait3A_194 = arith.constant 0 : i32
    %dma_wait3A_195 = tpu.memref_slice %arg9[%mul3A_190, %dma_wait3A_194] : memref<10240x128xf32, #tpu.memory_space<vmem_shared>> -> memref<80x128xf32, #tpu.memory_space<vmem_shared>>
    %dma_wait3A_196 = arith.constant 0 : i32
    %dma_wait3A_197 = tpu.memref_slice %arg9[%mul3A_190, %dma_wait3A_196] : memref<10240x128xf32, #tpu.memory_space<vmem_shared>> -> memref<80x128xf32, #tpu.memory_space<vmem_shared>>
    %dma_wait3A_198 = arith.constant 0 : i32
    %dma_wait3A_199 = arith.constant 0 : i32
    %dma_wait3A_200 = tpu.memref_slice %arg7[%dma_wait3A_198, %dma_wait3A_199] : memref<125x128xf32, #tpu.memory_space<vmem>> -> memref<80x128xf32, #tpu.memory_space<vmem>>
    tpu.wait_dma2 semaphore(%arg12 : memref<!tpu.dma_semaphore, #tpu.memory_space<semaphore_mem>>) src(%dma_wait3A_200 : memref<80x128xf32, #tpu.memory_space<vmem>>) dst(%dma_wait3A_197 : memref<80x128xf32, #tpu.memory_space<vmem_shared>>)
    %mul3A_201 = arith.constant 640 : i32
    %mul3A_202 = arith.muli %arg1, %mul3A_201 : i32
    %dma_wait3A_203 = arith.constant 0 : i32
    %dma_wait3A_204 = arith.constant 0 : i32
    %dma_wait3A_205 = tpu.memref_slice %arg7[%dma_wait3A_203, %dma_wait3A_204] : memref<125x128xf32, #tpu.memory_space<vmem>> -> memref<80x128xf32, #tpu.memory_space<vmem>>
    %dma_wait3A_206 = arith.constant 0 : i32
    %dma_wait3A_207 = tpu.memref_slice %arg9[%mul3A_202, %dma_wait3A_206] : memref<10240x128xf32, #tpu.memory_space<vmem_shared>> -> memref<80x128xf32, #tpu.memory_space<vmem_shared>>
    %dma_wait3A_208 = arith.constant 0 : i32
    %dma_wait3A_209 = tpu.memref_slice %arg9[%mul3A_202, %dma_wait3A_208] : memref<10240x128xf32, #tpu.memory_space<vmem_shared>> -> memref<80x128xf32, #tpu.memory_space<vmem_shared>>
    %dma_wait3A_210 = arith.constant 0 : i32
    %dma_wait3A_211 = arith.constant 0 : i32
    %dma_wait3A_212 = tpu.memref_slice %arg7[%dma_wait3A_210, %dma_wait3A_211] : memref<125x128xf32, #tpu.memory_space<vmem>> -> memref<80x128xf32, #tpu.memory_space<vmem>>
    tpu.wait_dma2 semaphore(%arg12 : memref<!tpu.dma_semaphore, #tpu.memory_space<semaphore_mem>>) src(%dma_wait3A_212 : memref<80x128xf32, #tpu.memory_space<vmem>>) dst(%dma_wait3A_209 : memref<80x128xf32, #tpu.memory_space<vmem_shared>>)
    %dma_start3A_213 = arith.constant 0 : i32
    %dma_start3A_214 = arith.constant 0 : i32
    %dma_start3A_215 = arith.constant 0 : i32
    %dma_start3A_216 = tpu.memref_slice %arg5[%dma_start3A_213, %dma_start3A_214, %dma_start3A_215] : memref<4x2x125xi32, #tpu.memory_space<vmem>> -> memref<1x1x125xi32, #tpu.memory_space<vmem>>
    %dma_start3A_217 = tpu.memref_squeeze %dma_start3A_216 : memref<1x1x125xi32, #tpu.memory_space<vmem>> -> memref<125xi32, #tpu.memory_space<vmem>>
    %dma_start3A_218 = arith.constant 0 : i32
    %dma_start3A_219 = arith.constant 0 : i32
    %dma_start3A_220 = tpu.memref_slice %arg2[%dma_start3A_218, %dma_start3A_219] : memref<10000x128xf32, #tpu.memory_space<hbm>> -> memref<10000x128xf32, #tpu.memory_space<hbm>>
    tpu.enqueue_indirect_dma source(%dma_start3A_220 : memref<10000x128xf32, #tpu.memory_space<hbm>>) target(%arg7 : memref<125x128xf32, #tpu.memory_space<vmem>>) offsets(%dma_start3A_217 : memref<125xi32, #tpu.memory_space<vmem>>) semaphore(%arg10 : memref<!tpu.dma_semaphore, #tpu.memory_space<semaphore_mem>>)
    %dma_start3A_221 = arith.constant 1 : i32
    %dma_start3A_222 = arith.constant 0 : i32
    %dma_start3A_223 = arith.constant 0 : i32
    %dma_start3A_224 = tpu.memref_slice %arg5[%dma_start3A_221, %dma_start3A_222, %dma_start3A_223] : memref<4x2x125xi32, #tpu.memory_space<vmem>> -> memref<1x1x125xi32, #tpu.memory_space<vmem>>
    %dma_start3A_225 = tpu.memref_squeeze %dma_start3A_224 : memref<1x1x125xi32, #tpu.memory_space<vmem>> -> memref<125xi32, #tpu.memory_space<vmem>>
    %dma_start3A_226 = arith.constant 0 : i32
    %dma_start3A_227 = arith.constant 0 : i32
    %dma_start3A_228 = tpu.memref_slice %arg2[%dma_start3A_226, %dma_start3A_227] : memref<10000x128xf32, #tpu.memory_space<hbm>> -> memref<10000x128xf32, #tpu.memory_space<hbm>>
    tpu.enqueue_indirect_dma source(%dma_start3A_228 : memref<10000x128xf32, #tpu.memory_space<hbm>>) target(%arg8 : memref<125x128xf32, #tpu.memory_space<vmem>>) offsets(%dma_start3A_225 : memref<125xi32, #tpu.memory_space<vmem>>) semaphore(%arg11 : memref<!tpu.dma_semaphore, #tpu.memory_space<semaphore_mem>>)
    %barrier3A = arith.constant 0 : index
    tpu.barrier barrier_id(%barrier3A)
    %scan3A_229 = arith.constant 0 : i32
    %scan3A_230 = arith.constant 0 : i32
    %scan3A_231 = arith.constant 10 : i32
    %scan3A_232 = arith.addi %scan3A_230, %scan3A_231 : i32
    %scan3A_233 = arith.constant 1 : i32
    scf.for %scan3A_468 = %scan3A_230 to %scan3A_232 step %scan3A_233  : i32 {
      %mul3A_469 = arith.constant 2 : i32
      %mul3A_470 = arith.muli %mul3A_469, %scan3A_468 : i32
      %add3A_471 = arith.constant 1 : i32
      %add3A_472 = arith.addi %mul3A_470, %add3A_471 : i32
      %dma_start3A_473 = arith.constant 0 : i32
      %dma_start3A_474 = arith.constant 0 : i32
      %dma_start3A_475 = arith.constant 0 : i32
      %dma_start3A_476 = tpu.memref_slice %arg3[%add3A, %add3A_472, %dma_start3A_473, %dma_start3A_474, %dma_start3A_475] : memref<32x20x4x2x125xi32, #tpu.memory_space<hbm>> -> memref<1x1x4x2x125xi32, #tpu.memory_space<hbm>>
      %dma_start3A_477 = tpu.memref_squeeze %dma_start3A_476 : memref<1x1x4x2x125xi32, #tpu.memory_space<hbm>> -> memref<4x2x125xi32, #tpu.memory_space<hbm>>
      %dma_start3A_478 = arith.constant 0 : i32
      %dma_start3A_479 = arith.constant 0 : i32
      %dma_start3A_480 = arith.constant 0 : i32
      %dma_start3A_481 = tpu.memref_slice %arg3[%add3A, %add3A_472, %dma_start3A_478, %dma_start3A_479, %dma_start3A_480] : memref<32x20x4x2x125xi32, #tpu.memory_space<hbm>> -> memref<1x1x4x2x125xi32, #tpu.memory_space<hbm>>
      %dma_start3A_482 = tpu.memref_squeeze %dma_start3A_481 : memref<1x1x4x2x125xi32, #tpu.memory_space<hbm>> -> memref<4x2x125xi32, #tpu.memory_space<hbm>>
      tpu.enqueue_dma source(%dma_start3A_482 : memref<4x2x125xi32, #tpu.memory_space<hbm>>) target(%arg6 : memref<4x2x125xi32, #tpu.memory_space<vmem>>) target_semaphore(%arg12 : memref<!tpu.dma_semaphore, #tpu.memory_space<semaphore_mem>>)
      %add3A_483 = arith.constant 1 : i32
      %add3A_484 = arith.addi %mul3A_470, %add3A_483 : i32
      %lt3A = arith.constant 20 : i32
      %lt3A_485 = arith.cmpi slt, %add3A_484, %lt3A : i32
      %dma_wait3A_486 = arith.constant 0 : i32
      %dma_wait3A_487 = arith.constant 0 : i32
      %dma_wait3A_488 = arith.constant 0 : i32
      %dma_wait3A_489 = tpu.memref_slice %arg5[%dma_wait3A_486, %dma_wait3A_487, %dma_wait3A_488] : memref<4x2x125xi32, #tpu.memory_space<vmem>> -> memref<1x1x125xi32, #tpu.memory_space<vmem>>
      %dma_wait3A_490 = tpu.memref_squeeze %dma_wait3A_489 : memref<1x1x125xi32, #tpu.memory_space<vmem>> -> memref<125xi32, #tpu.memory_space<vmem>>
      %dma_wait3A_491 = arith.constant 0 : i32
      %dma_wait3A_492 = arith.constant 0 : i32
      %dma_wait3A_493 = tpu.memref_slice %arg2[%dma_wait3A_491, %dma_wait3A_492] : memref<10000x128xf32, #tpu.memory_space<hbm>> -> memref<10000x128xf32, #tpu.memory_space<hbm>>
      tpu.wait_indirect_dma semaphore(%arg10 : memref<!tpu.dma_semaphore, #tpu.memory_space<semaphore_mem>>) src(%dma_wait3A_493 : memref<10000x128xf32, #tpu.memory_space<hbm>>) dst(%arg7 : memref<125x128xf32, #tpu.memory_space<vmem>>)
      %run_scoped3A_494 = arith.constant 0 : i32
      %run_scoped3A_495 = arith.constant 1 : i32
      "tpu.region"() ({
        %run_scoped3A_619 = tpu.sem_alloc : memref<!tpu.dma_semaphore, #tpu.memory_space<semaphore_mem>>
        %dma_start3A_620 = arith.constant 0 : i32
        %dma_start3A_621 = tpu.memref_slice %arg5[%run_scoped3A_494, %run_scoped3A_495, %dma_start3A_620] : memref<4x2x125xi32, #tpu.memory_space<vmem>> -> memref<1x1x125xi32, #tpu.memory_space<vmem>>
        %dma_start3A_622 = tpu.memref_squeeze %dma_start3A_621 : memref<1x1x125xi32, #tpu.memory_space<vmem>> -> memref<125xi32, #tpu.memory_space<vmem>>
        %dma_start3A_623 = arith.constant 0 : i32
        %dma_start3A_624 = arith.constant 0 : i32
        %dma_start3A_625 = tpu.memref_slice %arg9[%dma_start3A_623, %dma_start3A_624] : memref<10240x128xf32, #tpu.memory_space<vmem_shared>> -> memref<10240x128xf32, #tpu.memory_space<vmem_shared>>
        tpu.enqueue_indirect_dma source(%arg7 : memref<125x128xf32, #tpu.memory_space<vmem>>) target(%dma_start3A_625 : memref<10240x128xf32, #tpu.memory_space<vmem_shared>>) offsets(%dma_start3A_622 : memref<125xi32, #tpu.memory_space<vmem>>) semaphore(%run_scoped3A_619 : memref<!tpu.dma_semaphore, #tpu.memory_space<semaphore_mem>>) {add = true}
        %dma_wait3A_626 = arith.constant 0 : i32
        %dma_wait3A_627 = tpu.memref_slice %arg5[%run_scoped3A_494, %run_scoped3A_495, %dma_wait3A_626] : memref<4x2x125xi32, #tpu.memory_space<vmem>> -> memref<1x1x125xi32, #tpu.memory_space<vmem>>
        %dma_wait3A_628 = tpu.memref_squeeze %dma_wait3A_627 : memref<1x1x125xi32, #tpu.memory_space<vmem>> -> memref<125xi32, #tpu.memory_space<vmem>>
        %dma_wait3A_629 = arith.constant 0 : i32
        %dma_wait3A_630 = arith.constant 0 : i32
        %dma_wait3A_631 = tpu.memref_slice %arg9[%dma_wait3A_629, %dma_wait3A_630] : memref<10240x128xf32, #tpu.memory_space<vmem_shared>> -> memref<10240x128xf32, #tpu.memory_space<vmem_shared>>
        tpu.wait_indirect_dma semaphore(%run_scoped3A_619 : memref<!tpu.dma_semaphore, #tpu.memory_space<semaphore_mem>>) src(%arg7 : memref<125x128xf32, #tpu.memory_space<vmem>>) dst(%dma_wait3A_631 : memref<10240x128xf32, #tpu.memory_space<vmem_shared>>)
        tpu.yield
      }) : () -> ()
      %dma_start3A_496 = arith.constant 2 : i32
      %dma_start3A_497 = arith.constant 0 : i32
      %dma_start3A_498 = arith.constant 0 : i32
      %dma_start3A_499 = tpu.memref_slice %arg5[%dma_start3A_496, %dma_start3A_497, %dma_start3A_498] : memref<4x2x125xi32, #tpu.memory_space<vmem>> -> memref<1x1x125xi32, #tpu.memory_space<vmem>>
      %dma_start3A_500 = tpu.memref_squeeze %dma_start3A_499 : memref<1x1x125xi32, #tpu.memory_space<vmem>> -> memref<125xi32, #tpu.memory_space<vmem>>
      %dma_start3A_501 = arith.constant 0 : i32
      %dma_start3A_502 = arith.constant 0 : i32
      %dma_start3A_503 = tpu.memref_slice %arg2[%dma_start3A_501, %dma_start3A_502] : memref<10000x128xf32, #tpu.memory_space<hbm>> -> memref<10000x128xf32, #tpu.memory_space<hbm>>
      tpu.enqueue_indirect_dma source(%dma_start3A_503 : memref<10000x128xf32, #tpu.memory_space<hbm>>) target(%arg7 : memref<125x128xf32, #tpu.memory_space<vmem>>) offsets(%dma_start3A_500 : memref<125xi32, #tpu.memory_space<vmem>>) semaphore(%arg10 : memref<!tpu.dma_semaphore, #tpu.memory_space<semaphore_mem>>)
      %dma_wait3A_504 = arith.constant 0 : i32
      %dma_wait3A_505 = arith.constant 0 : i32
      %dma_wait3A_506 = arith.constant 0 : i32
      %dma_wait3A_507 = tpu.memref_slice %arg5[%dma_wait3A_504, %dma_wait3A_505, %dma_wait3A_506] : memref<4x2x125xi32, #tpu.memory_space<vmem>> -> memref<1x1x125xi32, #tpu.memory_space<vmem>>
      %dma_wait3A_508 = tpu.memref_squeeze %dma_wait3A_507 : memref<1x1x125xi32, #tpu.memory_space<vmem>> -> memref<125xi32, #tpu.memory_space<vmem>>
      %dma_wait3A_509 = arith.constant 0 : i32
      %dma_wait3A_510 = arith.constant 0 : i32
      %dma_wait3A_511 = tpu.memref_slice %arg2[%dma_wait3A_509, %dma_wait3A_510] : memref<10000x128xf32, #tpu.memory_space<hbm>> -> memref<10000x128xf32, #tpu.memory_space<hbm>>
      tpu.wait_indirect_dma semaphore(%arg11 : memref<!tpu.dma_semaphore, #tpu.memory_space<semaphore_mem>>) src(%dma_wait3A_511 : memref<10000x128xf32, #tpu.memory_space<hbm>>) dst(%arg8 : memref<125x128xf32, #tpu.memory_space<vmem>>)
      %run_scoped3A_512 = arith.constant 1 : i32
      %run_scoped3A_513 = arith.constant 1 : i32
      "tpu.region"() ({
        %run_scoped3A_619 = tpu.sem_alloc : memref<!tpu.dma_semaphore, #tpu.memory_space<semaphore_mem>>
        %dma_start3A_620 = arith.constant 0 : i32
        %dma_start3A_621 = tpu.memref_slice %arg5[%run_scoped3A_512, %run_scoped3A_513, %dma_start3A_620] : memref<4x2x125xi32, #tpu.memory_space<vmem>> -> memref<1x1x125xi32, #tpu.memory_space<vmem>>
        %dma_start3A_622 = tpu.memref_squeeze %dma_start3A_621 : memref<1x1x125xi32, #tpu.memory_space<vmem>> -> memref<125xi32, #tpu.memory_space<vmem>>
        %dma_start3A_623 = arith.constant 0 : i32
        %dma_start3A_624 = arith.constant 0 : i32
        %dma_start3A_625 = tpu.memref_slice %arg9[%dma_start3A_623, %dma_start3A_624] : memref<10240x128xf32, #tpu.memory_space<vmem_shared>> -> memref<10240x128xf32, #tpu.memory_space<vmem_shared>>
        tpu.enqueue_indirect_dma source(%arg8 : memref<125x128xf32, #tpu.memory_space<vmem>>) target(%dma_start3A_625 : memref<10240x128xf32, #tpu.memory_space<vmem_shared>>) offsets(%dma_start3A_622 : memref<125xi32, #tpu.memory_space<vmem>>) semaphore(%run_scoped3A_619 : memref<!tpu.dma_semaphore, #tpu.memory_space<semaphore_mem>>) {add = true}
        %dma_wait3A_626 = arith.constant 0 : i32
        %dma_wait3A_627 = tpu.memref_slice %arg5[%run_scoped3A_512, %run_scoped3A_513, %dma_wait3A_626] : memref<4x2x125xi32, #tpu.memory_space<vmem>> -> memref<1x1x125xi32, #tpu.memory_space<vmem>>
        %dma_wait3A_628 = tpu.memref_squeeze %dma_wait3A_627 : memref<1x1x125xi32, #tpu.memory_space<vmem>> -> memref<125xi32, #tpu.memory_space<vmem>>
        %dma_wait3A_629 = arith.constant 0 : i32
        %dma_wait3A_630 = arith.constant 0 : i32
        %dma_wait3A_631 = tpu.memref_slice %arg9[%dma_wait3A_629, %dma_wait3A_630] : memref<10240x128xf32, #tpu.memory_space<vmem_shared>> -> memref<10240x128xf32, #tpu.memory_space<vmem_shared>>
        tpu.wait_indirect_dma semaphore(%run_scoped3A_619 : memref<!tpu.dma_semaphore, #tpu.memory_space<semaphore_mem>>) src(%arg8 : memref<125x128xf32, #tpu.memory_space<vmem>>) dst(%dma_wait3A_631 : memref<10240x128xf32, #tpu.memory_space<vmem_shared>>)
        tpu.yield
      }) : () -> ()
      %dma_start3A_514 = arith.constant 3 : i32
      %dma_start3A_515 = arith.constant 0 : i32
      %dma_start3A_516 = arith.constant 0 : i32
      %dma_start3A_517 = tpu.memref_slice %arg5[%dma_start3A_514, %dma_start3A_515, %dma_start3A_516] : memref<4x2x125xi32, #tpu.memory_space<vmem>> -> memref<1x1x125xi32, #tpu.memory_space<vmem>>
      %dma_start3A_518 = tpu.memref_squeeze %dma_start3A_517 : memref<1x1x125xi32, #tpu.memory_space<vmem>> -> memref<125xi32, #tpu.memory_space<vmem>>
      %dma_start3A_519 = arith.constant 0 : i32
      %dma_start3A_520 = arith.constant 0 : i32
      %dma_start3A_521 = tpu.memref_slice %arg2[%dma_start3A_519, %dma_start3A_520] : memref<10000x128xf32, #tpu.memory_space<hbm>> -> memref<10000x128xf32, #tpu.memory_space<hbm>>
      tpu.enqueue_indirect_dma source(%dma_start3A_521 : memref<10000x128xf32, #tpu.memory_space<hbm>>) target(%arg8 : memref<125x128xf32, #tpu.memory_space<vmem>>) offsets(%dma_start3A_518 : memref<125xi32, #tpu.memory_space<vmem>>) semaphore(%arg11 : memref<!tpu.dma_semaphore, #tpu.memory_space<semaphore_mem>>)
      %dma_wait3A_522 = arith.constant 0 : i32
      %dma_wait3A_523 = arith.constant 0 : i32
      %dma_wait3A_524 = arith.constant 0 : i32
      %dma_wait3A_525 = tpu.memref_slice %arg5[%dma_wait3A_522, %dma_wait3A_523, %dma_wait3A_524] : memref<4x2x125xi32, #tpu.memory_space<vmem>> -> memref<1x1x125xi32, #tpu.memory_space<vmem>>
      %dma_wait3A_526 = tpu.memref_squeeze %dma_wait3A_525 : memref<1x1x125xi32, #tpu.memory_space<vmem>> -> memref<125xi32, #tpu.memory_space<vmem>>
      %dma_wait3A_527 = arith.constant 0 : i32
      %dma_wait3A_528 = arith.constant 0 : i32
      %dma_wait3A_529 = tpu.memref_slice %arg2[%dma_wait3A_527, %dma_wait3A_528] : memref<10000x128xf32, #tpu.memory_space<hbm>> -> memref<10000x128xf32, #tpu.memory_space<hbm>>
      tpu.wait_indirect_dma semaphore(%arg10 : memref<!tpu.dma_semaphore, #tpu.memory_space<semaphore_mem>>) src(%dma_wait3A_529 : memref<10000x128xf32, #tpu.memory_space<hbm>>) dst(%arg7 : memref<125x128xf32, #tpu.memory_space<vmem>>)
      %run_scoped3A_530 = arith.constant 2 : i32
      %run_scoped3A_531 = arith.constant 1 : i32
      "tpu.region"() ({
        %run_scoped3A_619 = tpu.sem_alloc : memref<!tpu.dma_semaphore, #tpu.memory_space<semaphore_mem>>
        %dma_start3A_620 = arith.constant 0 : i32
        %dma_start3A_621 = tpu.memref_slice %arg5[%run_scoped3A_530, %run_scoped3A_531, %dma_start3A_620] : memref<4x2x125xi32, #tpu.memory_space<vmem>> -> memref<1x1x125xi32, #tpu.memory_space<vmem>>
        %dma_start3A_622 = tpu.memref_squeeze %dma_start3A_621 : memref<1x1x125xi32, #tpu.memory_space<vmem>> -> memref<125xi32, #tpu.memory_space<vmem>>
        %dma_start3A_623 = arith.constant 0 : i32
        %dma_start3A_624 = arith.constant 0 : i32
        %dma_start3A_625 = tpu.memref_slice %arg9[%dma_start3A_623, %dma_start3A_624] : memref<10240x128xf32, #tpu.memory_space<vmem_shared>> -> memref<10240x128xf32, #tpu.memory_space<vmem_shared>>
        tpu.enqueue_indirect_dma source(%arg7 : memref<125x128xf32, #tpu.memory_space<vmem>>) target(%dma_start3A_625 : memref<10240x128xf32, #tpu.memory_space<vmem_shared>>) offsets(%dma_start3A_622 : memref<125xi32, #tpu.memory_space<vmem>>) semaphore(%run_scoped3A_619 : memref<!tpu.dma_semaphore, #tpu.memory_space<semaphore_mem>>) {add = true}
        %dma_wait3A_626 = arith.constant 0 : i32
        %dma_wait3A_627 = tpu.memref_slice %arg5[%run_scoped3A_530, %run_scoped3A_531, %dma_wait3A_626] : memref<4x2x125xi32, #tpu.memory_space<vmem>> -> memref<1x1x125xi32, #tpu.memory_space<vmem>>
        %dma_wait3A_628 = tpu.memref_squeeze %dma_wait3A_627 : memref<1x1x125xi32, #tpu.memory_space<vmem>> -> memref<125xi32, #tpu.memory_space<vmem>>
        %dma_wait3A_629 = arith.constant 0 : i32
        %dma_wait3A_630 = arith.constant 0 : i32
        %dma_wait3A_631 = tpu.memref_slice %arg9[%dma_wait3A_629, %dma_wait3A_630] : memref<10240x128xf32, #tpu.memory_space<vmem_shared>> -> memref<10240x128xf32, #tpu.memory_space<vmem_shared>>
        tpu.wait_indirect_dma semaphore(%run_scoped3A_619 : memref<!tpu.dma_semaphore, #tpu.memory_space<semaphore_mem>>) src(%arg7 : memref<125x128xf32, #tpu.memory_space<vmem>>) dst(%dma_wait3A_631 : memref<10240x128xf32, #tpu.memory_space<vmem_shared>>)
        tpu.yield
      }) : () -> ()
      %convert_element_type3A = arith.extui %lt3A_485 : i1 to i32
      %cond3A = arith.constant 0 : i32
      %cond3A_532 = arith.cmpi ne, %convert_element_type3A, %cond3A : i32
      scf.if %cond3A_532 {
        %dma_wait3A_619 = arith.constant 0 : i32
        %dma_wait3A_620 = arith.constant 0 : i32
        %dma_wait3A_621 = arith.constant 0 : i32
        %dma_wait3A_622 = arith.constant 0 : i32
        %dma_wait3A_623 = tpu.memref_slice %arg3[%add3A, %dma_wait3A_619, %dma_wait3A_620, %dma_wait3A_621, %dma_wait3A_622] : memref<32x20x4x2x125xi32, #tpu.memory_space<hbm>> -> memref<1x1x4x2x125xi32, #tpu.memory_space<hbm>>
        %dma_wait3A_624 = tpu.memref_squeeze %dma_wait3A_623 : memref<1x1x4x2x125xi32, #tpu.memory_space<hbm>> -> memref<4x2x125xi32, #tpu.memory_space<hbm>>
        %dma_wait3A_625 = arith.constant 0 : i32
        %dma_wait3A_626 = arith.constant 0 : i32
        %dma_wait3A_627 = arith.constant 0 : i32
        %dma_wait3A_628 = tpu.memref_slice %arg3[%add3A, %dma_wait3A_619, %dma_wait3A_625, %dma_wait3A_626, %dma_wait3A_627] : memref<32x20x4x2x125xi32, #tpu.memory_space<hbm>> -> memref<1x1x4x2x125xi32, #tpu.memory_space<hbm>>
        %dma_wait3A_629 = tpu.memref_squeeze %dma_wait3A_628 : memref<1x1x4x2x125xi32, #tpu.memory_space<hbm>> -> memref<4x2x125xi32, #tpu.memory_space<hbm>>
        tpu.wait_dma2 semaphore(%arg12 : memref<!tpu.dma_semaphore, #tpu.memory_space<semaphore_mem>>) src(%dma_wait3A_629 : memref<4x2x125xi32, #tpu.memory_space<hbm>>) dst(%arg6 : memref<4x2x125xi32, #tpu.memory_space<vmem>>)
        %dma_start3A_630 = arith.constant 0 : i32
        %dma_start3A_631 = arith.constant 0 : i32
        %dma_start3A_632 = arith.constant 0 : i32
        %dma_start3A_633 = tpu.memref_slice %arg6[%dma_start3A_630, %dma_start3A_631, %dma_start3A_632] : memref<4x2x125xi32, #tpu.memory_space<vmem>> -> memref<1x1x125xi32, #tpu.memory_space<vmem>>
        %dma_start3A_634 = tpu.memref_squeeze %dma_start3A_633 : memref<1x1x125xi32, #tpu.memory_space<vmem>> -> memref<125xi32, #tpu.memory_space<vmem>>
        %dma_start3A_635 = arith.constant 0 : i32
        %dma_start3A_636 = arith.constant 0 : i32
        %dma_start3A_637 = tpu.memref_slice %arg2[%dma_start3A_635, %dma_start3A_636] : memref<10000x128xf32, #tpu.memory_space<hbm>> -> memref<10000x128xf32, #tpu.memory_space<hbm>>
        tpu.enqueue_indirect_dma source(%dma_start3A_637 : memref<10000x128xf32, #tpu.memory_space<hbm>>) target(%arg7 : memref<125x128xf32, #tpu.memory_space<vmem>>) offsets(%dma_start3A_634 : memref<125xi32, #tpu.memory_space<vmem>>) semaphore(%arg10 : memref<!tpu.dma_semaphore, #tpu.memory_space<semaphore_mem>>)
      } else {
      }
      %dma_wait3A_533 = arith.constant 0 : i32
      %dma_wait3A_534 = arith.constant 0 : i32
      %dma_wait3A_535 = arith.constant 0 : i32
      %dma_wait3A_536 = tpu.memref_slice %arg5[%dma_wait3A_533, %dma_wait3A_534, %dma_wait3A_535] : memref<4x2x125xi32, #tpu.memory_space<vmem>> -> memref<1x1x125xi32, #tpu.memory_space<vmem>>
      %dma_wait3A_537 = tpu.memref_squeeze %dma_wait3A_536 : memref<1x1x125xi32, #tpu.memory_space<vmem>> -> memref<125xi32, #tpu.memory_space<vmem>>
      %dma_wait3A_538 = arith.constant 0 : i32
      %dma_wait3A_539 = arith.constant 0 : i32
      %dma_wait3A_540 = tpu.memref_slice %arg2[%dma_wait3A_538, %dma_wait3A_539] : memref<10000x128xf32, #tpu.memory_space<hbm>> -> memref<10000x128xf32, #tpu.memory_space<hbm>>
      tpu.wait_indirect_dma semaphore(%arg11 : memref<!tpu.dma_semaphore, #tpu.memory_space<semaphore_mem>>) src(%dma_wait3A_540 : memref<10000x128xf32, #tpu.memory_space<hbm>>) dst(%arg8 : memref<125x128xf32, #tpu.memory_space<vmem>>)
      %run_scoped3A_541 = arith.constant 3 : i32
      %run_scoped3A_542 = arith.constant 1 : i32
      "tpu.region"() ({
        %run_scoped3A_619 = tpu.sem_alloc : memref<!tpu.dma_semaphore, #tpu.memory_space<semaphore_mem>>
        %dma_start3A_620 = arith.constant 0 : i32
        %dma_start3A_621 = tpu.memref_slice %arg5[%run_scoped3A_541, %run_scoped3A_542, %dma_start3A_620] : memref<4x2x125xi32, #tpu.memory_space<vmem>> -> memref<1x1x125xi32, #tpu.memory_space<vmem>>
        %dma_start3A_622 = tpu.memref_squeeze %dma_start3A_621 : memref<1x1x125xi32, #tpu.memory_space<vmem>> -> memref<125xi32, #tpu.memory_space<vmem>>
        %dma_start3A_623 = arith.constant 0 : i32
        %dma_start3A_624 = arith.constant 0 : i32
        %dma_start3A_625 = tpu.memref_slice %arg9[%dma_start3A_623, %dma_start3A_624] : memref<10240x128xf32, #tpu.memory_space<vmem_shared>> -> memref<10240x128xf32, #tpu.memory_space<vmem_shared>>
        tpu.enqueue_indirect_dma source(%arg8 : memref<125x128xf32, #tpu.memory_space<vmem>>) target(%dma_start3A_625 : memref<10240x128xf32, #tpu.memory_space<vmem_shared>>) offsets(%dma_start3A_622 : memref<125xi32, #tpu.memory_space<vmem>>) semaphore(%run_scoped3A_619 : memref<!tpu.dma_semaphore, #tpu.memory_space<semaphore_mem>>) {add = true}
        %dma_wait3A_626 = arith.constant 0 : i32
        %dma_wait3A_627 = tpu.memref_slice %arg5[%run_scoped3A_541, %run_scoped3A_542, %dma_wait3A_626] : memref<4x2x125xi32, #tpu.memory_space<vmem>> -> memref<1x1x125xi32, #tpu.memory_space<vmem>>
        %dma_wait3A_628 = tpu.memref_squeeze %dma_wait3A_627 : memref<1x1x125xi32, #tpu.memory_space<vmem>> -> memref<125xi32, #tpu.memory_space<vmem>>
        %dma_wait3A_629 = arith.constant 0 : i32
        %dma_wait3A_630 = arith.constant 0 : i32
        %dma_wait3A_631 = tpu.memref_slice %arg9[%dma_wait3A_629, %dma_wait3A_630] : memref<10240x128xf32, #tpu.memory_space<vmem_shared>> -> memref<10240x128xf32, #tpu.memory_space<vmem_shared>>
        tpu.wait_indirect_dma semaphore(%run_scoped3A_619 : memref<!tpu.dma_semaphore, #tpu.memory_space<semaphore_mem>>) src(%arg8 : memref<125x128xf32, #tpu.memory_space<vmem>>) dst(%dma_wait3A_631 : memref<10240x128xf32, #tpu.memory_space<vmem_shared>>)
        tpu.yield
      }) : () -> ()
      %convert_element_type3A_543 = arith.extui %lt3A_485 : i1 to i32
      %cond3A_544 = arith.constant 0 : i32
      %cond3A_545 = arith.cmpi ne, %convert_element_type3A_543, %cond3A_544 : i32
      scf.if %cond3A_545 {
        %dma_start3A_619 = arith.constant 1 : i32
        %dma_start3A_620 = arith.constant 0 : i32
        %dma_start3A_621 = arith.constant 0 : i32
        %dma_start3A_622 = tpu.memref_slice %arg6[%dma_start3A_619, %dma_start3A_620, %dma_start3A_621] : memref<4x2x125xi32, #tpu.memory_space<vmem>> -> memref<1x1x125xi32, #tpu.memory_space<vmem>>
        %dma_start3A_623 = tpu.memref_squeeze %dma_start3A_622 : memref<1x1x125xi32, #tpu.memory_space<vmem>> -> memref<125xi32, #tpu.memory_space<vmem>>
        %dma_start3A_624 = arith.constant 0 : i32
        %dma_start3A_625 = arith.constant 0 : i32
        %dma_start3A_626 = tpu.memref_slice %arg2[%dma_start3A_624, %dma_start3A_625] : memref<10000x128xf32, #tpu.memory_space<hbm>> -> memref<10000x128xf32, #tpu.memory_space<hbm>>
        tpu.enqueue_indirect_dma source(%dma_start3A_626 : memref<10000x128xf32, #tpu.memory_space<hbm>>) target(%arg8 : memref<125x128xf32, #tpu.memory_space<vmem>>) offsets(%dma_start3A_623 : memref<125xi32, #tpu.memory_space<vmem>>) semaphore(%arg11 : memref<!tpu.dma_semaphore, #tpu.memory_space<semaphore_mem>>)
      } else {
      }
      %add3A_546 = arith.constant 2 : i32
      %add3A_547 = arith.addi %mul3A_470, %add3A_546 : i32
      %lt3A_548 = arith.constant 20 : i32
      %lt3A_549 = arith.cmpi slt, %add3A_547, %lt3A_548 : i32
      %convert_element_type3A_550 = arith.extui %lt3A_549 : i1 to i32
      %cond3A_551 = arith.constant 0 : i32
      %cond3A_552 = arith.cmpi ne, %convert_element_type3A_550, %cond3A_551 : i32
      scf.if %cond3A_552 {
        %add3A_619 = arith.constant 2 : i32
        %add3A_620 = arith.addi %mul3A_470, %add3A_619 : i32
        %dma_start3A_621 = arith.constant 0 : i32
        %dma_start3A_622 = arith.constant 0 : i32
        %dma_start3A_623 = arith.constant 0 : i32
        %dma_start3A_624 = tpu.memref_slice %arg3[%add3A, %add3A_620, %dma_start3A_621, %dma_start3A_622, %dma_start3A_623] : memref<32x20x4x2x125xi32, #tpu.memory_space<hbm>> -> memref<1x1x4x2x125xi32, #tpu.memory_space<hbm>>
        %dma_start3A_625 = tpu.memref_squeeze %dma_start3A_624 : memref<1x1x4x2x125xi32, #tpu.memory_space<hbm>> -> memref<4x2x125xi32, #tpu.memory_space<hbm>>
        %dma_start3A_626 = arith.constant 0 : i32
        %dma_start3A_627 = arith.constant 0 : i32
        %dma_start3A_628 = arith.constant 0 : i32
        %dma_start3A_629 = tpu.memref_slice %arg3[%add3A, %add3A_620, %dma_start3A_626, %dma_start3A_627, %dma_start3A_628] : memref<32x20x4x2x125xi32, #tpu.memory_space<hbm>> -> memref<1x1x4x2x125xi32, #tpu.memory_space<hbm>>
        %dma_start3A_630 = tpu.memref_squeeze %dma_start3A_629 : memref<1x1x4x2x125xi32, #tpu.memory_space<hbm>> -> memref<4x2x125xi32, #tpu.memory_space<hbm>>
        tpu.enqueue_dma source(%dma_start3A_630 : memref<4x2x125xi32, #tpu.memory_space<hbm>>) target(%arg5 : memref<4x2x125xi32, #tpu.memory_space<vmem>>) target_semaphore(%arg12 : memref<!tpu.dma_semaphore, #tpu.memory_space<semaphore_mem>>)
      } else {
      }
      %add3A_553 = arith.constant 2 : i32
      %add3A_554 = arith.addi %mul3A_470, %add3A_553 : i32
      %lt3A_555 = arith.constant 20 : i32
      %lt3A_556 = arith.cmpi slt, %add3A_554, %lt3A_555 : i32
      %dma_wait3A_557 = arith.constant 0 : i32
      %dma_wait3A_558 = arith.constant 0 : i32
      %dma_wait3A_559 = arith.constant 0 : i32
      %dma_wait3A_560 = tpu.memref_slice %arg6[%dma_wait3A_557, %dma_wait3A_558, %dma_wait3A_559] : memref<4x2x125xi32, #tpu.memory_space<vmem>> -> memref<1x1x125xi32, #tpu.memory_space<vmem>>
      %dma_wait3A_561 = tpu.memref_squeeze %dma_wait3A_560 : memref<1x1x125xi32, #tpu.memory_space<vmem>> -> memref<125xi32, #tpu.memory_space<vmem>>
      %dma_wait3A_562 = arith.constant 0 : i32
      %dma_wait3A_563 = arith.constant 0 : i32
      %dma_wait3A_564 = tpu.memref_slice %arg2[%dma_wait3A_562, %dma_wait3A_563] : memref<10000x128xf32, #tpu.memory_space<hbm>> -> memref<10000x128xf32, #tpu.memory_space<hbm>>
      tpu.wait_indirect_dma semaphore(%arg10 : memref<!tpu.dma_semaphore, #tpu.memory_space<semaphore_mem>>) src(%dma_wait3A_564 : memref<10000x128xf32, #tpu.memory_space<hbm>>) dst(%arg7 : memref<125x128xf32, #tpu.memory_space<vmem>>)
      %run_scoped3A_565 = arith.constant 0 : i32
      %run_scoped3A_566 = arith.constant 1 : i32
      "tpu.region"() ({
        %run_scoped3A_619 = tpu.sem_alloc : memref<!tpu.dma_semaphore, #tpu.memory_space<semaphore_mem>>
        %dma_start3A_620 = arith.constant 0 : i32
        %dma_start3A_621 = tpu.memref_slice %arg6[%run_scoped3A_565, %run_scoped3A_566, %dma_start3A_620] : memref<4x2x125xi32, #tpu.memory_space<vmem>> -> memref<1x1x125xi32, #tpu.memory_space<vmem>>
        %dma_start3A_622 = tpu.memref_squeeze %dma_start3A_621 : memref<1x1x125xi32, #tpu.memory_space<vmem>> -> memref<125xi32, #tpu.memory_space<vmem>>
        %dma_start3A_623 = arith.constant 0 : i32
        %dma_start3A_624 = arith.constant 0 : i32
        %dma_start3A_625 = tpu.memref_slice %arg9[%dma_start3A_623, %dma_start3A_624] : memref<10240x128xf32, #tpu.memory_space<vmem_shared>> -> memref<10240x128xf32, #tpu.memory_space<vmem_shared>>
        tpu.enqueue_indirect_dma source(%arg7 : memref<125x128xf32, #tpu.memory_space<vmem>>) target(%dma_start3A_625 : memref<10240x128xf32, #tpu.memory_space<vmem_shared>>) offsets(%dma_start3A_622 : memref<125xi32, #tpu.memory_space<vmem>>) semaphore(%run_scoped3A_619 : memref<!tpu.dma_semaphore, #tpu.memory_space<semaphore_mem>>) {add = true}
        %dma_wait3A_626 = arith.constant 0 : i32
        %dma_wait3A_627 = tpu.memref_slice %arg6[%run_scoped3A_565, %run_scoped3A_566, %dma_wait3A_626] : memref<4x2x125xi32, #tpu.memory_space<vmem>> -> memref<1x1x125xi32, #tpu.memory_space<vmem>>
        %dma_wait3A_628 = tpu.memref_squeeze %dma_wait3A_627 : memref<1x1x125xi32, #tpu.memory_space<vmem>> -> memref<125xi32, #tpu.memory_space<vmem>>
        %dma_wait3A_629 = arith.constant 0 : i32
        %dma_wait3A_630 = arith.constant 0 : i32
        %dma_wait3A_631 = tpu.memref_slice %arg9[%dma_wait3A_629, %dma_wait3A_630] : memref<10240x128xf32, #tpu.memory_space<vmem_shared>> -> memref<10240x128xf32, #tpu.memory_space<vmem_shared>>
        tpu.wait_indirect_dma semaphore(%run_scoped3A_619 : memref<!tpu.dma_semaphore, #tpu.memory_space<semaphore_mem>>) src(%arg7 : memref<125x128xf32, #tpu.memory_space<vmem>>) dst(%dma_wait3A_631 : memref<10240x128xf32, #tpu.memory_space<vmem_shared>>)
        tpu.yield
      }) : () -> ()
      %dma_start3A_567 = arith.constant 2 : i32
      %dma_start3A_568 = arith.constant 0 : i32
      %dma_start3A_569 = arith.constant 0 : i32
      %dma_start3A_570 = tpu.memref_slice %arg6[%dma_start3A_567, %dma_start3A_568, %dma_start3A_569] : memref<4x2x125xi32, #tpu.memory_space<vmem>> -> memref<1x1x125xi32, #tpu.memory_space<vmem>>
      %dma_start3A_571 = tpu.memref_squeeze %dma_start3A_570 : memref<1x1x125xi32, #tpu.memory_space<vmem>> -> memref<125xi32, #tpu.memory_space<vmem>>
      %dma_start3A_572 = arith.constant 0 : i32
      %dma_start3A_573 = arith.constant 0 : i32
      %dma_start3A_574 = tpu.memref_slice %arg2[%dma_start3A_572, %dma_start3A_573] : memref<10000x128xf32, #tpu.memory_space<hbm>> -> memref<10000x128xf32, #tpu.memory_space<hbm>>
      tpu.enqueue_indirect_dma source(%dma_start3A_574 : memref<10000x128xf32, #tpu.memory_space<hbm>>) target(%arg7 : memref<125x128xf32, #tpu.memory_space<vmem>>) offsets(%dma_start3A_571 : memref<125xi32, #tpu.memory_space<vmem>>) semaphore(%arg10 : memref<!tpu.dma_semaphore, #tpu.memory_space<semaphore_mem>>)
      %dma_wait3A_575 = arith.constant 0 : i32
      %dma_wait3A_576 = arith.constant 0 : i32
      %dma_wait3A_577 = arith.constant 0 : i32
      %dma_wait3A_578 = tpu.memref_slice %arg6[%dma_wait3A_575, %dma_wait3A_576, %dma_wait3A_577] : memref<4x2x125xi32, #tpu.memory_space<vmem>> -> memref<1x1x125xi32, #tpu.memory_space<vmem>>
      %dma_wait3A_579 = tpu.memref_squeeze %dma_wait3A_578 : memref<1x1x125xi32, #tpu.memory_space<vmem>> -> memref<125xi32, #tpu.memory_space<vmem>>
      %dma_wait3A_580 = arith.constant 0 : i32
      %dma_wait3A_581 = arith.constant 0 : i32
      %dma_wait3A_582 = tpu.memref_slice %arg2[%dma_wait3A_580, %dma_wait3A_581] : memref<10000x128xf32, #tpu.memory_space<hbm>> -> memref<10000x128xf32, #tpu.memory_space<hbm>>
      tpu.wait_indirect_dma semaphore(%arg11 : memref<!tpu.dma_semaphore, #tpu.memory_space<semaphore_mem>>) src(%dma_wait3A_582 : memref<10000x128xf32, #tpu.memory_space<hbm>>) dst(%arg8 : memref<125x128xf32, #tpu.memory_space<vmem>>)
      %run_scoped3A_583 = arith.constant 1 : i32
      %run_scoped3A_584 = arith.constant 1 : i32
      "tpu.region"() ({
        %run_scoped3A_619 = tpu.sem_alloc : memref<!tpu.dma_semaphore, #tpu.memory_space<semaphore_mem>>
        %dma_start3A_620 = arith.constant 0 : i32
        %dma_start3A_621 = tpu.memref_slice %arg6[%run_scoped3A_583, %run_scoped3A_584, %dma_start3A_620] : memref<4x2x125xi32, #tpu.memory_space<vmem>> -> memref<1x1x125xi32, #tpu.memory_space<vmem>>
        %dma_start3A_622 = tpu.memref_squeeze %dma_start3A_621 : memref<1x1x125xi32, #tpu.memory_space<vmem>> -> memref<125xi32, #tpu.memory_space<vmem>>
        %dma_start3A_623 = arith.constant 0 : i32
        %dma_start3A_624 = arith.constant 0 : i32
        %dma_start3A_625 = tpu.memref_slice %arg9[%dma_start3A_623, %dma_start3A_624] : memref<10240x128xf32, #tpu.memory_space<vmem_shared>> -> memref<10240x128xf32, #tpu.memory_space<vmem_shared>>
        tpu.enqueue_indirect_dma source(%arg8 : memref<125x128xf32, #tpu.memory_space<vmem>>) target(%dma_start3A_625 : memref<10240x128xf32, #tpu.memory_space<vmem_shared>>) offsets(%dma_start3A_622 : memref<125xi32, #tpu.memory_space<vmem>>) semaphore(%run_scoped3A_619 : memref<!tpu.dma_semaphore, #tpu.memory_space<semaphore_mem>>) {add = true}
        %dma_wait3A_626 = arith.constant 0 : i32
        %dma_wait3A_627 = tpu.memref_slice %arg6[%run_scoped3A_583, %run_scoped3A_584, %dma_wait3A_626] : memref<4x2x125xi32, #tpu.memory_space<vmem>> -> memref<1x1x125xi32, #tpu.memory_space<vmem>>
        %dma_wait3A_628 = tpu.memref_squeeze %dma_wait3A_627 : memref<1x1x125xi32, #tpu.memory_space<vmem>> -> memref<125xi32, #tpu.memory_space<vmem>>
        %dma_wait3A_629 = arith.constant 0 : i32
        %dma_wait3A_630 = arith.constant 0 : i32
        %dma_wait3A_631 = tpu.memref_slice %arg9[%dma_wait3A_629, %dma_wait3A_630] : memref<10240x128xf32, #tpu.memory_space<vmem_shared>> -> memref<10240x128xf32, #tpu.memory_space<vmem_shared>>
        tpu.wait_indirect_dma semaphore(%run_scoped3A_619 : memref<!tpu.dma_semaphore, #tpu.memory_space<semaphore_mem>>) src(%arg8 : memref<125x128xf32, #tpu.memory_space<vmem>>) dst(%dma_wait3A_631 : memref<10240x128xf32, #tpu.memory_space<vmem_shared>>)
        tpu.yield
      }) : () -> ()
      %dma_start3A_585 = arith.constant 3 : i32
      %dma_start3A_586 = arith.constant 0 : i32
      %dma_start3A_587 = arith.constant 0 : i32
      %dma_start3A_588 = tpu.memref_slice %arg6[%dma_start3A_585, %dma_start3A_586, %dma_start3A_587] : memref<4x2x125xi32, #tpu.memory_space<vmem>> -> memref<1x1x125xi32, #tpu.memory_space<vmem>>
      %dma_start3A_589 = tpu.memref_squeeze %dma_start3A_588 : memref<1x1x125xi32, #tpu.memory_space<vmem>> -> memref<125xi32, #tpu.memory_space<vmem>>
      %dma_start3A_590 = arith.constant 0 : i32
      %dma_start3A_591 = arith.constant 0 : i32
      %dma_start3A_592 = tpu.memref_slice %arg2[%dma_start3A_590, %dma_start3A_591] : memref<10000x128xf32, #tpu.memory_space<hbm>> -> memref<10000x128xf32, #tpu.memory_space<hbm>>
      tpu.enqueue_indirect_dma source(%dma_start3A_592 : memref<10000x128xf32, #tpu.memory_space<hbm>>) target(%arg8 : memref<125x128xf32, #tpu.memory_space<vmem>>) offsets(%dma_start3A_589 : memref<125xi32, #tpu.memory_space<vmem>>) semaphore(%arg11 : memref<!tpu.dma_semaphore, #tpu.memory_space<semaphore_mem>>)
      %dma_wait3A_593 = arith.constant 0 : i32
      %dma_wait3A_594 = arith.constant 0 : i32
      %dma_wait3A_595 = arith.constant 0 : i32
      %dma_wait3A_596 = tpu.memref_slice %arg6[%dma_wait3A_593, %dma_wait3A_594, %dma_wait3A_595] : memref<4x2x125xi32, #tpu.memory_space<vmem>> -> memref<1x1x125xi32, #tpu.memory_space<vmem>>
      %dma_wait3A_597 = tpu.memref_squeeze %dma_wait3A_596 : memref<1x1x125xi32, #tpu.memory_space<vmem>> -> memref<125xi32, #tpu.memory_space<vmem>>
      %dma_wait3A_598 = arith.constant 0 : i32
      %dma_wait3A_599 = arith.constant 0 : i32
      %dma_wait3A_600 = tpu.memref_slice %arg2[%dma_wait3A_598, %dma_wait3A_599] : memref<10000x128xf32, #tpu.memory_space<hbm>> -> memref<10000x128xf32, #tpu.memory_space<hbm>>
      tpu.wait_indirect_dma semaphore(%arg10 : memref<!tpu.dma_semaphore, #tpu.memory_space<semaphore_mem>>) src(%dma_wait3A_600 : memref<10000x128xf32, #tpu.memory_space<hbm>>) dst(%arg7 : memref<125x128xf32, #tpu.memory_space<vmem>>)
      %run_scoped3A_601 = arith.constant 2 : i32
      %run_scoped3A_602 = arith.constant 1 : i32
      "tpu.region"() ({
        %run_scoped3A_619 = tpu.sem_alloc : memref<!tpu.dma_semaphore, #tpu.memory_space<semaphore_mem>>
        %dma_start3A_620 = arith.constant 0 : i32
        %dma_start3A_621 = tpu.memref_slice %arg6[%run_scoped3A_601, %run_scoped3A_602, %dma_start3A_620] : memref<4x2x125xi32, #tpu.memory_space<vmem>> -> memref<1x1x125xi32, #tpu.memory_space<vmem>>
        %dma_start3A_622 = tpu.memref_squeeze %dma_start3A_621 : memref<1x1x125xi32, #tpu.memory_space<vmem>> -> memref<125xi32, #tpu.memory_space<vmem>>
        %dma_start3A_623 = arith.constant 0 : i32
        %dma_start3A_624 = arith.constant 0 : i32
        %dma_start3A_625 = tpu.memref_slice %arg9[%dma_start3A_623, %dma_start3A_624] : memref<10240x128xf32, #tpu.memory_space<vmem_shared>> -> memref<10240x128xf32, #tpu.memory_space<vmem_shared>>
        tpu.enqueue_indirect_dma source(%arg7 : memref<125x128xf32, #tpu.memory_space<vmem>>) target(%dma_start3A_625 : memref<10240x128xf32, #tpu.memory_space<vmem_shared>>) offsets(%dma_start3A_622 : memref<125xi32, #tpu.memory_space<vmem>>) semaphore(%run_scoped3A_619 : memref<!tpu.dma_semaphore, #tpu.memory_space<semaphore_mem>>) {add = true}
        %dma_wait3A_626 = arith.constant 0 : i32
        %dma_wait3A_627 = tpu.memref_slice %arg6[%run_scoped3A_601, %run_scoped3A_602, %dma_wait3A_626] : memref<4x2x125xi32, #tpu.memory_space<vmem>> -> memref<1x1x125xi32, #tpu.memory_space<vmem>>
        %dma_wait3A_628 = tpu.memref_squeeze %dma_wait3A_627 : memref<1x1x125xi32, #tpu.memory_space<vmem>> -> memref<125xi32, #tpu.memory_space<vmem>>
        %dma_wait3A_629 = arith.constant 0 : i32
        %dma_wait3A_630 = arith.constant 0 : i32
        %dma_wait3A_631 = tpu.memref_slice %arg9[%dma_wait3A_629, %dma_wait3A_630] : memref<10240x128xf32, #tpu.memory_space<vmem_shared>> -> memref<10240x128xf32, #tpu.memory_space<vmem_shared>>
        tpu.wait_indirect_dma semaphore(%run_scoped3A_619 : memref<!tpu.dma_semaphore, #tpu.memory_space<semaphore_mem>>) src(%arg7 : memref<125x128xf32, #tpu.memory_space<vmem>>) dst(%dma_wait3A_631 : memref<10240x128xf32, #tpu.memory_space<vmem_shared>>)
        tpu.yield
      }) : () -> ()
      %convert_element_type3A_603 = arith.extui %lt3A_556 : i1 to i32
      %cond3A_604 = arith.constant 0 : i32
      %cond3A_605 = arith.cmpi ne, %convert_element_type3A_603, %cond3A_604 : i32
      scf.if %cond3A_605 {
        %dma_wait3A_619 = arith.constant 0 : i32
        %dma_wait3A_620 = arith.constant 0 : i32
        %dma_wait3A_621 = arith.constant 0 : i32
        %dma_wait3A_622 = arith.constant 0 : i32
        %dma_wait3A_623 = tpu.memref_slice %arg3[%add3A, %dma_wait3A_619, %dma_wait3A_620, %dma_wait3A_621, %dma_wait3A_622] : memref<32x20x4x2x125xi32, #tpu.memory_space<hbm>> -> memref<1x1x4x2x125xi32, #tpu.memory_space<hbm>>
        %dma_wait3A_624 = tpu.memref_squeeze %dma_wait3A_623 : memref<1x1x4x2x125xi32, #tpu.memory_space<hbm>> -> memref<4x2x125xi32, #tpu.memory_space<hbm>>
        %dma_wait3A_625 = arith.constant 0 : i32
        %dma_wait3A_626 = arith.constant 0 : i32
        %dma_wait3A_627 = arith.constant 0 : i32
        %dma_wait3A_628 = tpu.memref_slice %arg3[%add3A, %dma_wait3A_619, %dma_wait3A_625, %dma_wait3A_626, %dma_wait3A_627] : memref<32x20x4x2x125xi32, #tpu.memory_space<hbm>> -> memref<1x1x4x2x125xi32, #tpu.memory_space<hbm>>
        %dma_wait3A_629 = tpu.memref_squeeze %dma_wait3A_628 : memref<1x1x4x2x125xi32, #tpu.memory_space<hbm>> -> memref<4x2x125xi32, #tpu.memory_space<hbm>>
        tpu.wait_dma2 semaphore(%arg12 : memref<!tpu.dma_semaphore, #tpu.memory_space<semaphore_mem>>) src(%dma_wait3A_629 : memref<4x2x125xi32, #tpu.memory_space<hbm>>) dst(%arg5 : memref<4x2x125xi32, #tpu.memory_space<vmem>>)
        %dma_start3A_630 = arith.constant 0 : i32
        %dma_start3A_631 = arith.constant 0 : i32
        %dma_start3A_632 = arith.constant 0 : i32
        %dma_start3A_633 = tpu.memref_slice %arg5[%dma_start3A_630, %dma_start3A_631, %dma_start3A_632] : memref<4x2x125xi32, #tpu.memory_space<vmem>> -> memref<1x1x125xi32, #tpu.memory_space<vmem>>
        %dma_start3A_634 = tpu.memref_squeeze %dma_start3A_633 : memref<1x1x125xi32, #tpu.memory_space<vmem>> -> memref<125xi32, #tpu.memory_space<vmem>>
        %dma_start3A_635 = arith.constant 0 : i32
        %dma_start3A_636 = arith.constant 0 : i32
        %dma_start3A_637 = tpu.memref_slice %arg2[%dma_start3A_635, %dma_start3A_636] : memref<10000x128xf32, #tpu.memory_space<hbm>> -> memref<10000x128xf32, #tpu.memory_space<hbm>>
        tpu.enqueue_indirect_dma source(%dma_start3A_637 : memref<10000x128xf32, #tpu.memory_space<hbm>>) target(%arg7 : memref<125x128xf32, #tpu.memory_space<vmem>>) offsets(%dma_start3A_634 : memref<125xi32, #tpu.memory_space<vmem>>) semaphore(%arg10 : memref<!tpu.dma_semaphore, #tpu.memory_space<semaphore_mem>>)
      } else {
      }
      %dma_wait3A_606 = arith.constant 0 : i32
      %dma_wait3A_607 = arith.constant 0 : i32
      %dma_wait3A_608 = arith.constant 0 : i32
      %dma_wait3A_609 = tpu.memref_slice %arg6[%dma_wait3A_606, %dma_wait3A_607, %dma_wait3A_608] : memref<4x2x125xi32, #tpu.memory_space<vmem>> -> memref<1x1x125xi32, #tpu.memory_space<vmem>>
      %dma_wait3A_610 = tpu.memref_squeeze %dma_wait3A_609 : memref<1x1x125xi32, #tpu.memory_space<vmem>> -> memref<125xi32, #tpu.memory_space<vmem>>
      %dma_wait3A_611 = arith.constant 0 : i32
      %dma_wait3A_612 = arith.constant 0 : i32
      %dma_wait3A_613 = tpu.memref_slice %arg2[%dma_wait3A_611, %dma_wait3A_612] : memref<10000x128xf32, #tpu.memory_space<hbm>> -> memref<10000x128xf32, #tpu.memory_space<hbm>>
      tpu.wait_indirect_dma semaphore(%arg11 : memref<!tpu.dma_semaphore, #tpu.memory_space<semaphore_mem>>) src(%dma_wait3A_613 : memref<10000x128xf32, #tpu.memory_space<hbm>>) dst(%arg8 : memref<125x128xf32, #tpu.memory_space<vmem>>)
      %run_scoped3A_614 = arith.constant 3 : i32
      %run_scoped3A_615 = arith.constant 1 : i32
      "tpu.region"() ({
        %run_scoped3A_619 = tpu.sem_alloc : memref<!tpu.dma_semaphore, #tpu.memory_space<semaphore_mem>>
        %dma_start3A_620 = arith.constant 0 : i32
        %dma_start3A_621 = tpu.memref_slice %arg6[%run_scoped3A_614, %run_scoped3A_615, %dma_start3A_620] : memref<4x2x125xi32, #tpu.memory_space<vmem>> -> memref<1x1x125xi32, #tpu.memory_space<vmem>>
        %dma_start3A_622 = tpu.memref_squeeze %dma_start3A_621 : memref<1x1x125xi32, #tpu.memory_space<vmem>> -> memref<125xi32, #tpu.memory_space<vmem>>
        %dma_start3A_623 = arith.constant 0 : i32
        %dma_start3A_624 = arith.constant 0 : i32
        %dma_start3A_625 = tpu.memref_slice %arg9[%dma_start3A_623, %dma_start3A_624] : memref<10240x128xf32, #tpu.memory_space<vmem_shared>> -> memref<10240x128xf32, #tpu.memory_space<vmem_shared>>
        tpu.enqueue_indirect_dma source(%arg8 : memref<125x128xf32, #tpu.memory_space<vmem>>) target(%dma_start3A_625 : memref<10240x128xf32, #tpu.memory_space<vmem_shared>>) offsets(%dma_start3A_622 : memref<125xi32, #tpu.memory_space<vmem>>) semaphore(%run_scoped3A_619 : memref<!tpu.dma_semaphore, #tpu.memory_space<semaphore_mem>>) {add = true}
        %dma_wait3A_626 = arith.constant 0 : i32
        %dma_wait3A_627 = tpu.memref_slice %arg6[%run_scoped3A_614, %run_scoped3A_615, %dma_wait3A_626] : memref<4x2x125xi32, #tpu.memory_space<vmem>> -> memref<1x1x125xi32, #tpu.memory_space<vmem>>
        %dma_wait3A_628 = tpu.memref_squeeze %dma_wait3A_627 : memref<1x1x125xi32, #tpu.memory_space<vmem>> -> memref<125xi32, #tpu.memory_space<vmem>>
        %dma_wait3A_629 = arith.constant 0 : i32
        %dma_wait3A_630 = arith.constant 0 : i32
        %dma_wait3A_631 = tpu.memref_slice %arg9[%dma_wait3A_629, %dma_wait3A_630] : memref<10240x128xf32, #tpu.memory_space<vmem_shared>> -> memref<10240x128xf32, #tpu.memory_space<vmem_shared>>
        tpu.wait_indirect_dma semaphore(%run_scoped3A_619 : memref<!tpu.dma_semaphore, #tpu.memory_space<semaphore_mem>>) src(%arg8 : memref<125x128xf32, #tpu.memory_space<vmem>>) dst(%dma_wait3A_631 : memref<10240x128xf32, #tpu.memory_space<vmem_shared>>)
        tpu.yield
      }) : () -> ()
      %convert_element_type3A_616 = arith.extui %lt3A_556 : i1 to i32
      %cond3A_617 = arith.constant 0 : i32
      %cond3A_618 = arith.cmpi ne, %convert_element_type3A_616, %cond3A_617 : i32
      scf.if %cond3A_618 {
        %dma_start3A_619 = arith.constant 1 : i32
        %dma_start3A_620 = arith.constant 0 : i32
        %dma_start3A_621 = arith.constant 0 : i32
        %dma_start3A_622 = tpu.memref_slice %arg5[%dma_start3A_619, %dma_start3A_620, %dma_start3A_621] : memref<4x2x125xi32, #tpu.memory_space<vmem>> -> memref<1x1x125xi32, #tpu.memory_space<vmem>>
        %dma_start3A_623 = tpu.memref_squeeze %dma_start3A_622 : memref<1x1x125xi32, #tpu.memory_space<vmem>> -> memref<125xi32, #tpu.memory_space<vmem>>
        %dma_start3A_624 = arith.constant 0 : i32
        %dma_start3A_625 = arith.constant 0 : i32
        %dma_start3A_626 = tpu.memref_slice %arg2[%dma_start3A_624, %dma_start3A_625] : memref<10000x128xf32, #tpu.memory_space<hbm>> -> memref<10000x128xf32, #tpu.memory_space<hbm>>
        tpu.enqueue_indirect_dma source(%dma_start3A_626 : memref<10000x128xf32, #tpu.memory_space<hbm>>) target(%arg8 : memref<125x128xf32, #tpu.memory_space<vmem>>) offsets(%dma_start3A_623 : memref<125xi32, #tpu.memory_space<vmem>>) semaphore(%arg11 : memref<!tpu.dma_semaphore, #tpu.memory_space<semaphore_mem>>)
      } else {
      }
    }
    %scan3A_234 = arith.constant 10 : i32
    %barrier3A_235 = arith.constant 0 : index
    tpu.barrier barrier_id(%barrier3A_235)
    %mul3A_236 = arith.constant 640 : i32
    %mul3A_237 = arith.muli %arg1, %mul3A_236 : i32
    %add3A_238 = arith.constant 0 : i32
    %add3A_239 = arith.addi %mul3A_237, %add3A_238 : i32
    "tpu.region"() ({
      %run_scoped3A_468 = tpu.sem_alloc : memref<!tpu.dma_semaphore, #tpu.memory_space<semaphore_mem>>
      %dma_start3A_469 = arith.constant 0 : i32
      %dma_start3A_470 = arith.constant 0 : i32
      %dma_start3A_471 = tpu.memref_slice %arg7[%dma_start3A_469, %dma_start3A_470] : memref<125x128xf32, #tpu.memory_space<vmem>> -> memref<80x128xf32, #tpu.memory_space<vmem>>
      %dma_start3A_472 = arith.constant 0 : i32
      %dma_start3A_473 = tpu.memref_slice %arg9[%add3A_239, %dma_start3A_472] : memref<10240x128xf32, #tpu.memory_space<vmem_shared>> -> memref<80x128xf32, #tpu.memory_space<vmem_shared>>
      %dma_start3A_474 = arith.constant 0 : i32
      %dma_start3A_475 = arith.constant 0 : i32
      %dma_start3A_476 = tpu.memref_slice %arg7[%dma_start3A_474, %dma_start3A_475] : memref<125x128xf32, #tpu.memory_space<vmem>> -> memref<80x128xf32, #tpu.memory_space<vmem>>
      %dma_start3A_477 = arith.constant 0 : i32
      %dma_start3A_478 = tpu.memref_slice %arg9[%add3A_239, %dma_start3A_477] : memref<10240x128xf32, #tpu.memory_space<vmem_shared>> -> memref<80x128xf32, #tpu.memory_space<vmem_shared>>
      tpu.enqueue_dma source(%dma_start3A_478 : memref<80x128xf32, #tpu.memory_space<vmem_shared>>) target(%dma_start3A_476 : memref<80x128xf32, #tpu.memory_space<vmem>>) target_semaphore(%run_scoped3A_468 : memref<!tpu.dma_semaphore, #tpu.memory_space<semaphore_mem>>)
      %dma_wait3A_479 = arith.constant 0 : i32
      %dma_wait3A_480 = arith.constant 0 : i32
      %dma_wait3A_481 = tpu.memref_slice %arg7[%dma_wait3A_479, %dma_wait3A_480] : memref<125x128xf32, #tpu.memory_space<vmem>> -> memref<80x128xf32, #tpu.memory_space<vmem>>
      %dma_wait3A_482 = arith.constant 0 : i32
      %dma_wait3A_483 = tpu.memref_slice %arg9[%add3A_239, %dma_wait3A_482] : memref<10240x128xf32, #tpu.memory_space<vmem_shared>> -> memref<80x128xf32, #tpu.memory_space<vmem_shared>>
      %dma_wait3A_484 = arith.constant 0 : i32
      %dma_wait3A_485 = arith.constant 0 : i32
      %dma_wait3A_486 = tpu.memref_slice %arg7[%dma_wait3A_484, %dma_wait3A_485] : memref<125x128xf32, #tpu.memory_space<vmem>> -> memref<80x128xf32, #tpu.memory_space<vmem>>
      %dma_wait3A_487 = arith.constant 0 : i32
      %dma_wait3A_488 = tpu.memref_slice %arg9[%add3A_239, %dma_wait3A_487] : memref<10240x128xf32, #tpu.memory_space<vmem_shared>> -> memref<80x128xf32, #tpu.memory_space<vmem_shared>>
      tpu.wait_dma2 semaphore(%run_scoped3A_468 : memref<!tpu.dma_semaphore, #tpu.memory_space<semaphore_mem>>) src(%dma_wait3A_488 : memref<80x128xf32, #tpu.memory_space<vmem_shared>>) dst(%dma_wait3A_486 : memref<80x128xf32, #tpu.memory_space<vmem>>)
      tpu.yield
    }) : () -> ()
    %mul3A_240 = arith.constant 10240 : i32
    %mul3A_241 = arith.muli %arg0, %mul3A_240 : i32
    %add3A_242 = arith.addi %mul3A_241, %add3A_239 : i32
    %dma_start3A_243 = arith.constant 0 : i32
    %dma_start3A_244 = arith.constant 0 : i32
    %dma_start3A_245 = tpu.memref_slice %arg7[%dma_start3A_243, %dma_start3A_244] : memref<125x128xf32, #tpu.memory_space<vmem>> -> memref<80x128xf32, #tpu.memory_space<vmem>>
    %dma_start3A_246 = arith.constant 0 : i32
    %dma_start3A_247 = tpu.memref_slice %arg4[%add3A_242, %dma_start3A_246] : memref<20480x128xf32, #tpu.memory_space<hbm>> -> memref<80x128xf32, #tpu.memory_space<hbm>>
    %dma_start3A_248 = arith.constant 0 : i32
    %dma_start3A_249 = tpu.memref_slice %arg4[%add3A_242, %dma_start3A_248] : memref<20480x128xf32, #tpu.memory_space<hbm>> -> memref<80x128xf32, #tpu.memory_space<hbm>>
    %dma_start3A_250 = arith.constant 0 : i32
    %dma_start3A_251 = arith.constant 0 : i32
    %dma_start3A_252 = tpu.memref_slice %arg7[%dma_start3A_250, %dma_start3A_251] : memref<125x128xf32, #tpu.memory_space<vmem>> -> memref<80x128xf32, #tpu.memory_space<vmem>>
    tpu.enqueue_dma source(%dma_start3A_252 : memref<80x128xf32, #tpu.memory_space<vmem>>) target(%dma_start3A_249 : memref<80x128xf32, #tpu.memory_space<hbm>>) target_semaphore(%arg10 : memref<!tpu.dma_semaphore, #tpu.memory_space<semaphore_mem>>)
    %mul3A_253 = arith.constant 640 : i32
    %mul3A_254 = arith.muli %arg1, %mul3A_253 : i32
    %add3A_255 = arith.constant 80 : i32
    %add3A_256 = arith.addi %mul3A_254, %add3A_255 : i32
    "tpu.region"() ({
      %run_scoped3A_468 = tpu.sem_alloc : memref<!tpu.dma_semaphore, #tpu.memory_space<semaphore_mem>>
      %dma_start3A_469 = arith.constant 0 : i32
      %dma_start3A_470 = arith.constant 0 : i32
      %dma_start3A_471 = tpu.memref_slice %arg8[%dma_start3A_469, %dma_start3A_470] : memref<125x128xf32, #tpu.memory_space<vmem>> -> memref<80x128xf32, #tpu.memory_space<vmem>>
      %dma_start3A_472 = arith.constant 0 : i32
      %dma_start3A_473 = tpu.memref_slice %arg9[%add3A_256, %dma_start3A_472] : memref<10240x128xf32, #tpu.memory_space<vmem_shared>> -> memref<80x128xf32, #tpu.memory_space<vmem_shared>>
      %dma_start3A_474 = arith.constant 0 : i32
      %dma_start3A_475 = arith.constant 0 : i32
      %dma_start3A_476 = tpu.memref_slice %arg8[%dma_start3A_474, %dma_start3A_475] : memref<125x128xf32, #tpu.memory_space<vmem>> -> memref<80x128xf32, #tpu.memory_space<vmem>>
      %dma_start3A_477 = arith.constant 0 : i32
      %dma_start3A_478 = tpu.memref_slice %arg9[%add3A_256, %dma_start3A_477] : memref<10240x128xf32, #tpu.memory_space<vmem_shared>> -> memref<80x128xf32, #tpu.memory_space<vmem_shared>>
      tpu.enqueue_dma source(%dma_start3A_478 : memref<80x128xf32, #tpu.memory_space<vmem_shared>>) target(%dma_start3A_476 : memref<80x128xf32, #tpu.memory_space<vmem>>) target_semaphore(%run_scoped3A_468 : memref<!tpu.dma_semaphore, #tpu.memory_space<semaphore_mem>>)
      %dma_wait3A_479 = arith.constant 0 : i32
      %dma_wait3A_480 = arith.constant 0 : i32
      %dma_wait3A_481 = tpu.memref_slice %arg8[%dma_wait3A_479, %dma_wait3A_480] : memref<125x128xf32, #tpu.memory_space<vmem>> -> memref<80x128xf32, #tpu.memory_space<vmem>>
      %dma_wait3A_482 = arith.constant 0 : i32
      %dma_wait3A_483 = tpu.memref_slice %arg9[%add3A_256, %dma_wait3A_482] : memref<10240x128xf32, #tpu.memory_space<vmem_shared>> -> memref<80x128xf32, #tpu.memory_space<vmem_shared>>
      %dma_wait3A_484 = arith.constant 0 : i32
      %dma_wait3A_485 = arith.constant 0 : i32
      %dma_wait3A_486 = tpu.memref_slice %arg8[%dma_wait3A_484, %dma_wait3A_485] : memref<125x128xf32, #tpu.memory_space<vmem>> -> memref<80x128xf32, #tpu.memory_space<vmem>>
      %dma_wait3A_487 = arith.constant 0 : i32
      %dma_wait3A_488 = tpu.memref_slice %arg9[%add3A_256, %dma_wait3A_487] : memref<10240x128xf32, #tpu.memory_space<vmem_shared>> -> memref<80x128xf32, #tpu.memory_space<vmem_shared>>
      tpu.wait_dma2 semaphore(%run_scoped3A_468 : memref<!tpu.dma_semaphore, #tpu.memory_space<semaphore_mem>>) src(%dma_wait3A_488 : memref<80x128xf32, #tpu.memory_space<vmem_shared>>) dst(%dma_wait3A_486 : memref<80x128xf32, #tpu.memory_space<vmem>>)
      tpu.yield
    }) : () -> ()
    %mul3A_257 = arith.constant 10240 : i32
    %mul3A_258 = arith.muli %arg0, %mul3A_257 : i32
    %add3A_259 = arith.addi %mul3A_258, %add3A_256 : i32
    %dma_start3A_260 = arith.constant 0 : i32
    %dma_start3A_261 = arith.constant 0 : i32
    %dma_start3A_262 = tpu.memref_slice %arg8[%dma_start3A_260, %dma_start3A_261] : memref<125x128xf32, #tpu.memory_space<vmem>> -> memref<80x128xf32, #tpu.memory_space<vmem>>
    %dma_start3A_263 = arith.constant 0 : i32
    %dma_start3A_264 = tpu.memref_slice %arg4[%add3A_259, %dma_start3A_263] : memref<20480x128xf32, #tpu.memory_space<hbm>> -> memref<80x128xf32, #tpu.memory_space<hbm>>
    %dma_start3A_265 = arith.constant 0 : i32
    %dma_start3A_266 = tpu.memref_slice %arg4[%add3A_259, %dma_start3A_265] : memref<20480x128xf32, #tpu.memory_space<hbm>> -> memref<80x128xf32, #tpu.memory_space<hbm>>
    %dma_start3A_267 = arith.constant 0 : i32
    %dma_start3A_268 = arith.constant 0 : i32
    %dma_start3A_269 = tpu.memref_slice %arg8[%dma_start3A_267, %dma_start3A_268] : memref<125x128xf32, #tpu.memory_space<vmem>> -> memref<80x128xf32, #tpu.memory_space<vmem>>
    tpu.enqueue_dma source(%dma_start3A_269 : memref<80x128xf32, #tpu.memory_space<vmem>>) target(%dma_start3A_266 : memref<80x128xf32, #tpu.memory_space<hbm>>) target_semaphore(%arg11 : memref<!tpu.dma_semaphore, #tpu.memory_space<semaphore_mem>>)
    %mul3A_270 = arith.constant 10240 : i32
    %mul3A_271 = arith.muli %arg0, %mul3A_270 : i32
    %dma_wait3A_272 = arith.constant 0 : i32
    %dma_wait3A_273 = arith.constant 0 : i32
    %dma_wait3A_274 = tpu.memref_slice %arg7[%dma_wait3A_272, %dma_wait3A_273] : memref<125x128xf32, #tpu.memory_space<vmem>> -> memref<80x128xf32, #tpu.memory_space<vmem>>
    %dma_wait3A_275 = arith.constant 0 : i32
    %dma_wait3A_276 = tpu.memref_slice %arg4[%mul3A_271, %dma_wait3A_275] : memref<20480x128xf32, #tpu.memory_space<hbm>> -> memref<80x128xf32, #tpu.memory_space<hbm>>
    %dma_wait3A_277 = arith.constant 0 : i32
    %dma_wait3A_278 = tpu.memref_slice %arg4[%mul3A_271, %dma_wait3A_277] : memref<20480x128xf32, #tpu.memory_space<hbm>> -> memref<80x128xf32, #tpu.memory_space<hbm>>
    %dma_wait3A_279 = arith.constant 0 : i32
    %dma_wait3A_280 = arith.constant 0 : i32
    %dma_wait3A_281 = tpu.memref_slice %arg7[%dma_wait3A_279, %dma_wait3A_280] : memref<125x128xf32, #tpu.memory_space<vmem>> -> memref<80x128xf32, #tpu.memory_space<vmem>>
    tpu.wait_dma2 semaphore(%arg10 : memref<!tpu.dma_semaphore, #tpu.memory_space<semaphore_mem>>) src(%dma_wait3A_281 : memref<80x128xf32, #tpu.memory_space<vmem>>) dst(%dma_wait3A_278 : memref<80x128xf32, #tpu.memory_space<hbm>>)
    %mul3A_282 = arith.constant 640 : i32
    %mul3A_283 = arith.muli %arg1, %mul3A_282 : i32
    %add3A_284 = arith.constant 160 : i32
    %add3A_285 = arith.addi %mul3A_283, %add3A_284 : i32
    "tpu.region"() ({
      %run_scoped3A_468 = tpu.sem_alloc : memref<!tpu.dma_semaphore, #tpu.memory_space<semaphore_mem>>
      %dma_start3A_469 = arith.constant 0 : i32
      %dma_start3A_470 = arith.constant 0 : i32
      %dma_start3A_471 = tpu.memref_slice %arg7[%dma_start3A_469, %dma_start3A_470] : memref<125x128xf32, #tpu.memory_space<vmem>> -> memref<80x128xf32, #tpu.memory_space<vmem>>
      %dma_start3A_472 = arith.constant 0 : i32
      %dma_start3A_473 = tpu.memref_slice %arg9[%add3A_285, %dma_start3A_472] : memref<10240x128xf32, #tpu.memory_space<vmem_shared>> -> memref<80x128xf32, #tpu.memory_space<vmem_shared>>
      %dma_start3A_474 = arith.constant 0 : i32
      %dma_start3A_475 = arith.constant 0 : i32
      %dma_start3A_476 = tpu.memref_slice %arg7[%dma_start3A_474, %dma_start3A_475] : memref<125x128xf32, #tpu.memory_space<vmem>> -> memref<80x128xf32, #tpu.memory_space<vmem>>
      %dma_start3A_477 = arith.constant 0 : i32
      %dma_start3A_478 = tpu.memref_slice %arg9[%add3A_285, %dma_start3A_477] : memref<10240x128xf32, #tpu.memory_space<vmem_shared>> -> memref<80x128xf32, #tpu.memory_space<vmem_shared>>
      tpu.enqueue_dma source(%dma_start3A_478 : memref<80x128xf32, #tpu.memory_space<vmem_shared>>) target(%dma_start3A_476 : memref<80x128xf32, #tpu.memory_space<vmem>>) target_semaphore(%run_scoped3A_468 : memref<!tpu.dma_semaphore, #tpu.memory_space<semaphore_mem>>)
      %dma_wait3A_479 = arith.constant 0 : i32
      %dma_wait3A_480 = arith.constant 0 : i32
      %dma_wait3A_481 = tpu.memref_slice %arg7[%dma_wait3A_479, %dma_wait3A_480] : memref<125x128xf32, #tpu.memory_space<vmem>> -> memref<80x128xf32, #tpu.memory_space<vmem>>
      %dma_wait3A_482 = arith.constant 0 : i32
      %dma_wait3A_483 = tpu.memref_slice %arg9[%add3A_285, %dma_wait3A_482] : memref<10240x128xf32, #tpu.memory_space<vmem_shared>> -> memref<80x128xf32, #tpu.memory_space<vmem_shared>>
      %dma_wait3A_484 = arith.constant 0 : i32
      %dma_wait3A_485 = arith.constant 0 : i32
      %dma_wait3A_486 = tpu.memref_slice %arg7[%dma_wait3A_484, %dma_wait3A_485] : memref<125x128xf32, #tpu.memory_space<vmem>> -> memref<80x128xf32, #tpu.memory_space<vmem>>
      %dma_wait3A_487 = arith.constant 0 : i32
      %dma_wait3A_488 = tpu.memref_slice %arg9[%add3A_285, %dma_wait3A_487] : memref<10240x128xf32, #tpu.memory_space<vmem_shared>> -> memref<80x128xf32, #tpu.memory_space<vmem_shared>>
      tpu.wait_dma2 semaphore(%run_scoped3A_468 : memref<!tpu.dma_semaphore, #tpu.memory_space<semaphore_mem>>) src(%dma_wait3A_488 : memref<80x128xf32, #tpu.memory_space<vmem_shared>>) dst(%dma_wait3A_486 : memref<80x128xf32, #tpu.memory_space<vmem>>)
      tpu.yield
    }) : () -> ()
    %mul3A_286 = arith.constant 10240 : i32
    %mul3A_287 = arith.muli %arg0, %mul3A_286 : i32
    %add3A_288 = arith.addi %mul3A_287, %add3A_285 : i32
    %dma_start3A_289 = arith.constant 0 : i32
    %dma_start3A_290 = arith.constant 0 : i32
    %dma_start3A_291 = tpu.memref_slice %arg7[%dma_start3A_289, %dma_start3A_290] : memref<125x128xf32, #tpu.memory_space<vmem>> -> memref<80x128xf32, #tpu.memory_space<vmem>>
    %dma_start3A_292 = arith.constant 0 : i32
    %dma_start3A_293 = tpu.memref_slice %arg4[%add3A_288, %dma_start3A_292] : memref<20480x128xf32, #tpu.memory_space<hbm>> -> memref<80x128xf32, #tpu.memory_space<hbm>>
    %dma_start3A_294 = arith.constant 0 : i32
    %dma_start3A_295 = tpu.memref_slice %arg4[%add3A_288, %dma_start3A_294] : memref<20480x128xf32, #tpu.memory_space<hbm>> -> memref<80x128xf32, #tpu.memory_space<hbm>>
    %dma_start3A_296 = arith.constant 0 : i32
    %dma_start3A_297 = arith.constant 0 : i32
    %dma_start3A_298 = tpu.memref_slice %arg7[%dma_start3A_296, %dma_start3A_297] : memref<125x128xf32, #tpu.memory_space<vmem>> -> memref<80x128xf32, #tpu.memory_space<vmem>>
    tpu.enqueue_dma source(%dma_start3A_298 : memref<80x128xf32, #tpu.memory_space<vmem>>) target(%dma_start3A_295 : memref<80x128xf32, #tpu.memory_space<hbm>>) target_semaphore(%arg10 : memref<!tpu.dma_semaphore, #tpu.memory_space<semaphore_mem>>)
    %mul3A_299 = arith.constant 10240 : i32
    %mul3A_300 = arith.muli %arg0, %mul3A_299 : i32
    %dma_wait3A_301 = arith.constant 0 : i32
    %dma_wait3A_302 = arith.constant 0 : i32
    %dma_wait3A_303 = tpu.memref_slice %arg8[%dma_wait3A_301, %dma_wait3A_302] : memref<125x128xf32, #tpu.memory_space<vmem>> -> memref<80x128xf32, #tpu.memory_space<vmem>>
    %dma_wait3A_304 = arith.constant 0 : i32
    %dma_wait3A_305 = tpu.memref_slice %arg4[%mul3A_300, %dma_wait3A_304] : memref<20480x128xf32, #tpu.memory_space<hbm>> -> memref<80x128xf32, #tpu.memory_space<hbm>>
    %dma_wait3A_306 = arith.constant 0 : i32
    %dma_wait3A_307 = tpu.memref_slice %arg4[%mul3A_300, %dma_wait3A_306] : memref<20480x128xf32, #tpu.memory_space<hbm>> -> memref<80x128xf32, #tpu.memory_space<hbm>>
    %dma_wait3A_308 = arith.constant 0 : i32
    %dma_wait3A_309 = arith.constant 0 : i32
    %dma_wait3A_310 = tpu.memref_slice %arg8[%dma_wait3A_308, %dma_wait3A_309] : memref<125x128xf32, #tpu.memory_space<vmem>> -> memref<80x128xf32, #tpu.memory_space<vmem>>
    tpu.wait_dma2 semaphore(%arg11 : memref<!tpu.dma_semaphore, #tpu.memory_space<semaphore_mem>>) src(%dma_wait3A_310 : memref<80x128xf32, #tpu.memory_space<vmem>>) dst(%dma_wait3A_307 : memref<80x128xf32, #tpu.memory_space<hbm>>)
    %mul3A_311 = arith.constant 640 : i32
    %mul3A_312 = arith.muli %arg1, %mul3A_311 : i32
    %add3A_313 = arith.constant 240 : i32
    %add3A_314 = arith.addi %mul3A_312, %add3A_313 : i32
    "tpu.region"() ({
      %run_scoped3A_468 = tpu.sem_alloc : memref<!tpu.dma_semaphore, #tpu.memory_space<semaphore_mem>>
      %dma_start3A_469 = arith.constant 0 : i32
      %dma_start3A_470 = arith.constant 0 : i32
      %dma_start3A_471 = tpu.memref_slice %arg8[%dma_start3A_469, %dma_start3A_470] : memref<125x128xf32, #tpu.memory_space<vmem>> -> memref<80x128xf32, #tpu.memory_space<vmem>>
      %dma_start3A_472 = arith.constant 0 : i32
      %dma_start3A_473 = tpu.memref_slice %arg9[%add3A_314, %dma_start3A_472] : memref<10240x128xf32, #tpu.memory_space<vmem_shared>> -> memref<80x128xf32, #tpu.memory_space<vmem_shared>>
      %dma_start3A_474 = arith.constant 0 : i32
      %dma_start3A_475 = arith.constant 0 : i32
      %dma_start3A_476 = tpu.memref_slice %arg8[%dma_start3A_474, %dma_start3A_475] : memref<125x128xf32, #tpu.memory_space<vmem>> -> memref<80x128xf32, #tpu.memory_space<vmem>>
      %dma_start3A_477 = arith.constant 0 : i32
      %dma_start3A_478 = tpu.memref_slice %arg9[%add3A_314, %dma_start3A_477] : memref<10240x128xf32, #tpu.memory_space<vmem_shared>> -> memref<80x128xf32, #tpu.memory_space<vmem_shared>>
      tpu.enqueue_dma source(%dma_start3A_478 : memref<80x128xf32, #tpu.memory_space<vmem_shared>>) target(%dma_start3A_476 : memref<80x128xf32, #tpu.memory_space<vmem>>) target_semaphore(%run_scoped3A_468 : memref<!tpu.dma_semaphore, #tpu.memory_space<semaphore_mem>>)
      %dma_wait3A_479 = arith.constant 0 : i32
      %dma_wait3A_480 = arith.constant 0 : i32
      %dma_wait3A_481 = tpu.memref_slice %arg8[%dma_wait3A_479, %dma_wait3A_480] : memref<125x128xf32, #tpu.memory_space<vmem>> -> memref<80x128xf32, #tpu.memory_space<vmem>>
      %dma_wait3A_482 = arith.constant 0 : i32
      %dma_wait3A_483 = tpu.memref_slice %arg9[%add3A_314, %dma_wait3A_482] : memref<10240x128xf32, #tpu.memory_space<vmem_shared>> -> memref<80x128xf32, #tpu.memory_space<vmem_shared>>
      %dma_wait3A_484 = arith.constant 0 : i32
      %dma_wait3A_485 = arith.constant 0 : i32
      %dma_wait3A_486 = tpu.memref_slice %arg8[%dma_wait3A_484, %dma_wait3A_485] : memref<125x128xf32, #tpu.memory_space<vmem>> -> memref<80x128xf32, #tpu.memory_space<vmem>>
      %dma_wait3A_487 = arith.constant 0 : i32
      %dma_wait3A_488 = tpu.memref_slice %arg9[%add3A_314, %dma_wait3A_487] : memref<10240x128xf32, #tpu.memory_space<vmem_shared>> -> memref<80x128xf32, #tpu.memory_space<vmem_shared>>
      tpu.wait_dma2 semaphore(%run_scoped3A_468 : memref<!tpu.dma_semaphore, #tpu.memory_space<semaphore_mem>>) src(%dma_wait3A_488 : memref<80x128xf32, #tpu.memory_space<vmem_shared>>) dst(%dma_wait3A_486 : memref<80x128xf32, #tpu.memory_space<vmem>>)
      tpu.yield
    }) : () -> ()
    %mul3A_315 = arith.constant 10240 : i32
    %mul3A_316 = arith.muli %arg0, %mul3A_315 : i32
    %add3A_317 = arith.addi %mul3A_316, %add3A_314 : i32
    %dma_start3A_318 = arith.constant 0 : i32
    %dma_start3A_319 = arith.constant 0 : i32
    %dma_start3A_320 = tpu.memref_slice %arg8[%dma_start3A_318, %dma_start3A_319] : memref<125x128xf32, #tpu.memory_space<vmem>> -> memref<80x128xf32, #tpu.memory_space<vmem>>
    %dma_start3A_321 = arith.constant 0 : i32
    %dma_start3A_322 = tpu.memref_slice %arg4[%add3A_317, %dma_start3A_321] : memref<20480x128xf32, #tpu.memory_space<hbm>> -> memref<80x128xf32, #tpu.memory_space<hbm>>
    %dma_start3A_323 = arith.constant 0 : i32
    %dma_start3A_324 = tpu.memref_slice %arg4[%add3A_317, %dma_start3A_323] : memref<20480x128xf32, #tpu.memory_space<hbm>> -> memref<80x128xf32, #tpu.memory_space<hbm>>
    %dma_start3A_325 = arith.constant 0 : i32
    %dma_start3A_326 = arith.constant 0 : i32
    %dma_start3A_327 = tpu.memref_slice %arg8[%dma_start3A_325, %dma_start3A_326] : memref<125x128xf32, #tpu.memory_space<vmem>> -> memref<80x128xf32, #tpu.memory_space<vmem>>
    tpu.enqueue_dma source(%dma_start3A_327 : memref<80x128xf32, #tpu.memory_space<vmem>>) target(%dma_start3A_324 : memref<80x128xf32, #tpu.memory_space<hbm>>) target_semaphore(%arg11 : memref<!tpu.dma_semaphore, #tpu.memory_space<semaphore_mem>>)
    %mul3A_328 = arith.constant 10240 : i32
    %mul3A_329 = arith.muli %arg0, %mul3A_328 : i32
    %dma_wait3A_330 = arith.constant 0 : i32
    %dma_wait3A_331 = arith.constant 0 : i32
    %dma_wait3A_332 = tpu.memref_slice %arg7[%dma_wait3A_330, %dma_wait3A_331] : memref<125x128xf32, #tpu.memory_space<vmem>> -> memref<80x128xf32, #tpu.memory_space<vmem>>
    %dma_wait3A_333 = arith.constant 0 : i32
    %dma_wait3A_334 = tpu.memref_slice %arg4[%mul3A_329, %dma_wait3A_333] : memref<20480x128xf32, #tpu.memory_space<hbm>> -> memref<80x128xf32, #tpu.memory_space<hbm>>
    %dma_wait3A_335 = arith.constant 0 : i32
    %dma_wait3A_336 = tpu.memref_slice %arg4[%mul3A_329, %dma_wait3A_335] : memref<20480x128xf32, #tpu.memory_space<hbm>> -> memref<80x128xf32, #tpu.memory_space<hbm>>
    %dma_wait3A_337 = arith.constant 0 : i32
    %dma_wait3A_338 = arith.constant 0 : i32
    %dma_wait3A_339 = tpu.memref_slice %arg7[%dma_wait3A_337, %dma_wait3A_338] : memref<125x128xf32, #tpu.memory_space<vmem>> -> memref<80x128xf32, #tpu.memory_space<vmem>>
    tpu.wait_dma2 semaphore(%arg10 : memref<!tpu.dma_semaphore, #tpu.memory_space<semaphore_mem>>) src(%dma_wait3A_339 : memref<80x128xf32, #tpu.memory_space<vmem>>) dst(%dma_wait3A_336 : memref<80x128xf32, #tpu.memory_space<hbm>>)
    %mul3A_340 = arith.constant 640 : i32
    %mul3A_341 = arith.muli %arg1, %mul3A_340 : i32
    %add3A_342 = arith.constant 320 : i32
    %add3A_343 = arith.addi %mul3A_341, %add3A_342 : i32
    "tpu.region"() ({
      %run_scoped3A_468 = tpu.sem_alloc : memref<!tpu.dma_semaphore, #tpu.memory_space<semaphore_mem>>
      %dma_start3A_469 = arith.constant 0 : i32
      %dma_start3A_470 = arith.constant 0 : i32
      %dma_start3A_471 = tpu.memref_slice %arg7[%dma_start3A_469, %dma_start3A_470] : memref<125x128xf32, #tpu.memory_space<vmem>> -> memref<80x128xf32, #tpu.memory_space<vmem>>
      %dma_start3A_472 = arith.constant 0 : i32
      %dma_start3A_473 = tpu.memref_slice %arg9[%add3A_343, %dma_start3A_472] : memref<10240x128xf32, #tpu.memory_space<vmem_shared>> -> memref<80x128xf32, #tpu.memory_space<vmem_shared>>
      %dma_start3A_474 = arith.constant 0 : i32
      %dma_start3A_475 = arith.constant 0 : i32
      %dma_start3A_476 = tpu.memref_slice %arg7[%dma_start3A_474, %dma_start3A_475] : memref<125x128xf32, #tpu.memory_space<vmem>> -> memref<80x128xf32, #tpu.memory_space<vmem>>
      %dma_start3A_477 = arith.constant 0 : i32
      %dma_start3A_478 = tpu.memref_slice %arg9[%add3A_343, %dma_start3A_477] : memref<10240x128xf32, #tpu.memory_space<vmem_shared>> -> memref<80x128xf32, #tpu.memory_space<vmem_shared>>
      tpu.enqueue_dma source(%dma_start3A_478 : memref<80x128xf32, #tpu.memory_space<vmem_shared>>) target(%dma_start3A_476 : memref<80x128xf32, #tpu.memory_space<vmem>>) target_semaphore(%run_scoped3A_468 : memref<!tpu.dma_semaphore, #tpu.memory_space<semaphore_mem>>)
      %dma_wait3A_479 = arith.constant 0 : i32
      %dma_wait3A_480 = arith.constant 0 : i32
      %dma_wait3A_481 = tpu.memref_slice %arg7[%dma_wait3A_479, %dma_wait3A_480] : memref<125x128xf32, #tpu.memory_space<vmem>> -> memref<80x128xf32, #tpu.memory_space<vmem>>
      %dma_wait3A_482 = arith.constant 0 : i32
      %dma_wait3A_483 = tpu.memref_slice %arg9[%add3A_343, %dma_wait3A_482] : memref<10240x128xf32, #tpu.memory_space<vmem_shared>> -> memref<80x128xf32, #tpu.memory_space<vmem_shared>>
      %dma_wait3A_484 = arith.constant 0 : i32
      %dma_wait3A_485 = arith.constant 0 : i32
      %dma_wait3A_486 = tpu.memref_slice %arg7[%dma_wait3A_484, %dma_wait3A_485] : memref<125x128xf32, #tpu.memory_space<vmem>> -> memref<80x128xf32, #tpu.memory_space<vmem>>
      %dma_wait3A_487 = arith.constant 0 : i32
      %dma_wait3A_488 = tpu.memref_slice %arg9[%add3A_343, %dma_wait3A_487] : memref<10240x128xf32, #tpu.memory_space<vmem_shared>> -> memref<80x128xf32, #tpu.memory_space<vmem_shared>>
      tpu.wait_dma2 semaphore(%run_scoped3A_468 : memref<!tpu.dma_semaphore, #tpu.memory_space<semaphore_mem>>) src(%dma_wait3A_488 : memref<80x128xf32, #tpu.memory_space<vmem_shared>>) dst(%dma_wait3A_486 : memref<80x128xf32, #tpu.memory_space<vmem>>)
      tpu.yield
    }) : () -> ()
    %mul3A_344 = arith.constant 10240 : i32
    %mul3A_345 = arith.muli %arg0, %mul3A_344 : i32
    %add3A_346 = arith.addi %mul3A_345, %add3A_343 : i32
    %dma_start3A_347 = arith.constant 0 : i32
    %dma_start3A_348 = arith.constant 0 : i32
    %dma_start3A_349 = tpu.memref_slice %arg7[%dma_start3A_347, %dma_start3A_348] : memref<125x128xf32, #tpu.memory_space<vmem>> -> memref<80x128xf32, #tpu.memory_space<vmem>>
    %dma_start3A_350 = arith.constant 0 : i32
    %dma_start3A_351 = tpu.memref_slice %arg4[%add3A_346, %dma_start3A_350] : memref<20480x128xf32, #tpu.memory_space<hbm>> -> memref<80x128xf32, #tpu.memory_space<hbm>>
    %dma_start3A_352 = arith.constant 0 : i32
    %dma_start3A_353 = tpu.memref_slice %arg4[%add3A_346, %dma_start3A_352] : memref<20480x128xf32, #tpu.memory_space<hbm>> -> memref<80x128xf32, #tpu.memory_space<hbm>>
    %dma_start3A_354 = arith.constant 0 : i32
    %dma_start3A_355 = arith.constant 0 : i32
    %dma_start3A_356 = tpu.memref_slice %arg7[%dma_start3A_354, %dma_start3A_355] : memref<125x128xf32, #tpu.memory_space<vmem>> -> memref<80x128xf32, #tpu.memory_space<vmem>>
    tpu.enqueue_dma source(%dma_start3A_356 : memref<80x128xf32, #tpu.memory_space<vmem>>) target(%dma_start3A_353 : memref<80x128xf32, #tpu.memory_space<hbm>>) target_semaphore(%arg10 : memref<!tpu.dma_semaphore, #tpu.memory_space<semaphore_mem>>)
    %mul3A_357 = arith.constant 10240 : i32
    %mul3A_358 = arith.muli %arg0, %mul3A_357 : i32
    %dma_wait3A_359 = arith.constant 0 : i32
    %dma_wait3A_360 = arith.constant 0 : i32
    %dma_wait3A_361 = tpu.memref_slice %arg8[%dma_wait3A_359, %dma_wait3A_360] : memref<125x128xf32, #tpu.memory_space<vmem>> -> memref<80x128xf32, #tpu.memory_space<vmem>>
    %dma_wait3A_362 = arith.constant 0 : i32
    %dma_wait3A_363 = tpu.memref_slice %arg4[%mul3A_358, %dma_wait3A_362] : memref<20480x128xf32, #tpu.memory_space<hbm>> -> memref<80x128xf32, #tpu.memory_space<hbm>>
    %dma_wait3A_364 = arith.constant 0 : i32
    %dma_wait3A_365 = tpu.memref_slice %arg4[%mul3A_358, %dma_wait3A_364] : memref<20480x128xf32, #tpu.memory_space<hbm>> -> memref<80x128xf32, #tpu.memory_space<hbm>>
    %dma_wait3A_366 = arith.constant 0 : i32
    %dma_wait3A_367 = arith.constant 0 : i32
    %dma_wait3A_368 = tpu.memref_slice %arg8[%dma_wait3A_366, %dma_wait3A_367] : memref<125x128xf32, #tpu.memory_space<vmem>> -> memref<80x128xf32, #tpu.memory_space<vmem>>
    tpu.wait_dma2 semaphore(%arg11 : memref<!tpu.dma_semaphore, #tpu.memory_space<semaphore_mem>>) src(%dma_wait3A_368 : memref<80x128xf32, #tpu.memory_space<vmem>>) dst(%dma_wait3A_365 : memref<80x128xf32, #tpu.memory_space<hbm>>)
    %mul3A_369 = arith.constant 640 : i32
    %mul3A_370 = arith.muli %arg1, %mul3A_369 : i32
    %add3A_371 = arith.constant 400 : i32
    %add3A_372 = arith.addi %mul3A_370, %add3A_371 : i32
    "tpu.region"() ({
      %run_scoped3A_468 = tpu.sem_alloc : memref<!tpu.dma_semaphore, #tpu.memory_space<semaphore_mem>>
      %dma_start3A_469 = arith.constant 0 : i32
      %dma_start3A_470 = arith.constant 0 : i32
      %dma_start3A_471 = tpu.memref_slice %arg8[%dma_start3A_469, %dma_start3A_470] : memref<125x128xf32, #tpu.memory_space<vmem>> -> memref<80x128xf32, #tpu.memory_space<vmem>>
      %dma_start3A_472 = arith.constant 0 : i32
      %dma_start3A_473 = tpu.memref_slice %arg9[%add3A_372, %dma_start3A_472] : memref<10240x128xf32, #tpu.memory_space<vmem_shared>> -> memref<80x128xf32, #tpu.memory_space<vmem_shared>>
      %dma_start3A_474 = arith.constant 0 : i32
      %dma_start3A_475 = arith.constant 0 : i32
      %dma_start3A_476 = tpu.memref_slice %arg8[%dma_start3A_474, %dma_start3A_475] : memref<125x128xf32, #tpu.memory_space<vmem>> -> memref<80x128xf32, #tpu.memory_space<vmem>>
      %dma_start3A_477 = arith.constant 0 : i32
      %dma_start3A_478 = tpu.memref_slice %arg9[%add3A_372, %dma_start3A_477] : memref<10240x128xf32, #tpu.memory_space<vmem_shared>> -> memref<80x128xf32, #tpu.memory_space<vmem_shared>>
      tpu.enqueue_dma source(%dma_start3A_478 : memref<80x128xf32, #tpu.memory_space<vmem_shared>>) target(%dma_start3A_476 : memref<80x128xf32, #tpu.memory_space<vmem>>) target_semaphore(%run_scoped3A_468 : memref<!tpu.dma_semaphore, #tpu.memory_space<semaphore_mem>>)
      %dma_wait3A_479 = arith.constant 0 : i32
      %dma_wait3A_480 = arith.constant 0 : i32
      %dma_wait3A_481 = tpu.memref_slice %arg8[%dma_wait3A_479, %dma_wait3A_480] : memref<125x128xf32, #tpu.memory_space<vmem>> -> memref<80x128xf32, #tpu.memory_space<vmem>>
      %dma_wait3A_482 = arith.constant 0 : i32
      %dma_wait3A_483 = tpu.memref_slice %arg9[%add3A_372, %dma_wait3A_482] : memref<10240x128xf32, #tpu.memory_space<vmem_shared>> -> memref<80x128xf32, #tpu.memory_space<vmem_shared>>
      %dma_wait3A_484 = arith.constant 0 : i32
      %dma_wait3A_485 = arith.constant 0 : i32
      %dma_wait3A_486 = tpu.memref_slice %arg8[%dma_wait3A_484, %dma_wait3A_485] : memref<125x128xf32, #tpu.memory_space<vmem>> -> memref<80x128xf32, #tpu.memory_space<vmem>>
      %dma_wait3A_487 = arith.constant 0 : i32
      %dma_wait3A_488 = tpu.memref_slice %arg9[%add3A_372, %dma_wait3A_487] : memref<10240x128xf32, #tpu.memory_space<vmem_shared>> -> memref<80x128xf32, #tpu.memory_space<vmem_shared>>
      tpu.wait_dma2 semaphore(%run_scoped3A_468 : memref<!tpu.dma_semaphore, #tpu.memory_space<semaphore_mem>>) src(%dma_wait3A_488 : memref<80x128xf32, #tpu.memory_space<vmem_shared>>) dst(%dma_wait3A_486 : memref<80x128xf32, #tpu.memory_space<vmem>>)
      tpu.yield
    }) : () -> ()
    %mul3A_373 = arith.constant 10240 : i32
    %mul3A_374 = arith.muli %arg0, %mul3A_373 : i32
    %add3A_375 = arith.addi %mul3A_374, %add3A_372 : i32
    %dma_start3A_376 = arith.constant 0 : i32
    %dma_start3A_377 = arith.constant 0 : i32
    %dma_start3A_378 = tpu.memref_slice %arg8[%dma_start3A_376, %dma_start3A_377] : memref<125x128xf32, #tpu.memory_space<vmem>> -> memref<80x128xf32, #tpu.memory_space<vmem>>
    %dma_start3A_379 = arith.constant 0 : i32
    %dma_start3A_380 = tpu.memref_slice %arg4[%add3A_375, %dma_start3A_379] : memref<20480x128xf32, #tpu.memory_space<hbm>> -> memref<80x128xf32, #tpu.memory_space<hbm>>
    %dma_start3A_381 = arith.constant 0 : i32
    %dma_start3A_382 = tpu.memref_slice %arg4[%add3A_375, %dma_start3A_381] : memref<20480x128xf32, #tpu.memory_space<hbm>> -> memref<80x128xf32, #tpu.memory_space<hbm>>
    %dma_start3A_383 = arith.constant 0 : i32
    %dma_start3A_384 = arith.constant 0 : i32
    %dma_start3A_385 = tpu.memref_slice %arg8[%dma_start3A_383, %dma_start3A_384] : memref<125x128xf32, #tpu.memory_space<vmem>> -> memref<80x128xf32, #tpu.memory_space<vmem>>
    tpu.enqueue_dma source(%dma_start3A_385 : memref<80x128xf32, #tpu.memory_space<vmem>>) target(%dma_start3A_382 : memref<80x128xf32, #tpu.memory_space<hbm>>) target_semaphore(%arg11 : memref<!tpu.dma_semaphore, #tpu.memory_space<semaphore_mem>>)
    %mul3A_386 = arith.constant 10240 : i32
    %mul3A_387 = arith.muli %arg0, %mul3A_386 : i32
    %dma_wait3A_388 = arith.constant 0 : i32
    %dma_wait3A_389 = arith.constant 0 : i32
    %dma_wait3A_390 = tpu.memref_slice %arg7[%dma_wait3A_388, %dma_wait3A_389] : memref<125x128xf32, #tpu.memory_space<vmem>> -> memref<80x128xf32, #tpu.memory_space<vmem>>
    %dma_wait3A_391 = arith.constant 0 : i32
    %dma_wait3A_392 = tpu.memref_slice %arg4[%mul3A_387, %dma_wait3A_391] : memref<20480x128xf32, #tpu.memory_space<hbm>> -> memref<80x128xf32, #tpu.memory_space<hbm>>
    %dma_wait3A_393 = arith.constant 0 : i32
    %dma_wait3A_394 = tpu.memref_slice %arg4[%mul3A_387, %dma_wait3A_393] : memref<20480x128xf32, #tpu.memory_space<hbm>> -> memref<80x128xf32, #tpu.memory_space<hbm>>
    %dma_wait3A_395 = arith.constant 0 : i32
    %dma_wait3A_396 = arith.constant 0 : i32
    %dma_wait3A_397 = tpu.memref_slice %arg7[%dma_wait3A_395, %dma_wait3A_396] : memref<125x128xf32, #tpu.memory_space<vmem>> -> memref<80x128xf32, #tpu.memory_space<vmem>>
    tpu.wait_dma2 semaphore(%arg10 : memref<!tpu.dma_semaphore, #tpu.memory_space<semaphore_mem>>) src(%dma_wait3A_397 : memref<80x128xf32, #tpu.memory_space<vmem>>) dst(%dma_wait3A_394 : memref<80x128xf32, #tpu.memory_space<hbm>>)
    %mul3A_398 = arith.constant 640 : i32
    %mul3A_399 = arith.muli %arg1, %mul3A_398 : i32
    %add3A_400 = arith.constant 480 : i32
    %add3A_401 = arith.addi %mul3A_399, %add3A_400 : i32
    "tpu.region"() ({
      %run_scoped3A_468 = tpu.sem_alloc : memref<!tpu.dma_semaphore, #tpu.memory_space<semaphore_mem>>
      %dma_start3A_469 = arith.constant 0 : i32
      %dma_start3A_470 = arith.constant 0 : i32
      %dma_start3A_471 = tpu.memref_slice %arg7[%dma_start3A_469, %dma_start3A_470] : memref<125x128xf32, #tpu.memory_space<vmem>> -> memref<80x128xf32, #tpu.memory_space<vmem>>
      %dma_start3A_472 = arith.constant 0 : i32
      %dma_start3A_473 = tpu.memref_slice %arg9[%add3A_401, %dma_start3A_472] : memref<10240x128xf32, #tpu.memory_space<vmem_shared>> -> memref<80x128xf32, #tpu.memory_space<vmem_shared>>
      %dma_start3A_474 = arith.constant 0 : i32
      %dma_start3A_475 = arith.constant 0 : i32
      %dma_start3A_476 = tpu.memref_slice %arg7[%dma_start3A_474, %dma_start3A_475] : memref<125x128xf32, #tpu.memory_space<vmem>> -> memref<80x128xf32, #tpu.memory_space<vmem>>
      %dma_start3A_477 = arith.constant 0 : i32
      %dma_start3A_478 = tpu.memref_slice %arg9[%add3A_401, %dma_start3A_477] : memref<10240x128xf32, #tpu.memory_space<vmem_shared>> -> memref<80x128xf32, #tpu.memory_space<vmem_shared>>
      tpu.enqueue_dma source(%dma_start3A_478 : memref<80x128xf32, #tpu.memory_space<vmem_shared>>) target(%dma_start3A_476 : memref<80x128xf32, #tpu.memory_space<vmem>>) target_semaphore(%run_scoped3A_468 : memref<!tpu.dma_semaphore, #tpu.memory_space<semaphore_mem>>)
      %dma_wait3A_479 = arith.constant 0 : i32
      %dma_wait3A_480 = arith.constant 0 : i32
      %dma_wait3A_481 = tpu.memref_slice %arg7[%dma_wait3A_479, %dma_wait3A_480] : memref<125x128xf32, #tpu.memory_space<vmem>> -> memref<80x128xf32, #tpu.memory_space<vmem>>
      %dma_wait3A_482 = arith.constant 0 : i32
      %dma_wait3A_483 = tpu.memref_slice %arg9[%add3A_401, %dma_wait3A_482] : memref<10240x128xf32, #tpu.memory_space<vmem_shared>> -> memref<80x128xf32, #tpu.memory_space<vmem_shared>>
      %dma_wait3A_484 = arith.constant 0 : i32
      %dma_wait3A_485 = arith.constant 0 : i32
      %dma_wait3A_486 = tpu.memref_slice %arg7[%dma_wait3A_484, %dma_wait3A_485] : memref<125x128xf32, #tpu.memory_space<vmem>> -> memref<80x128xf32, #tpu.memory_space<vmem>>
      %dma_wait3A_487 = arith.constant 0 : i32
      %dma_wait3A_488 = tpu.memref_slice %arg9[%add3A_401, %dma_wait3A_487] : memref<10240x128xf32, #tpu.memory_space<vmem_shared>> -> memref<80x128xf32, #tpu.memory_space<vmem_shared>>
      tpu.wait_dma2 semaphore(%run_scoped3A_468 : memref<!tpu.dma_semaphore, #tpu.memory_space<semaphore_mem>>) src(%dma_wait3A_488 : memref<80x128xf32, #tpu.memory_space<vmem_shared>>) dst(%dma_wait3A_486 : memref<80x128xf32, #tpu.memory_space<vmem>>)
      tpu.yield
    }) : () -> ()
    %mul3A_402 = arith.constant 10240 : i32
    %mul3A_403 = arith.muli %arg0, %mul3A_402 : i32
    %add3A_404 = arith.addi %mul3A_403, %add3A_401 : i32
    %dma_start3A_405 = arith.constant 0 : i32
    %dma_start3A_406 = arith.constant 0 : i32
    %dma_start3A_407 = tpu.memref_slice %arg7[%dma_start3A_405, %dma_start3A_406] : memref<125x128xf32, #tpu.memory_space<vmem>> -> memref<80x128xf32, #tpu.memory_space<vmem>>
    %dma_start3A_408 = arith.constant 0 : i32
    %dma_start3A_409 = tpu.memref_slice %arg4[%add3A_404, %dma_start3A_408] : memref<20480x128xf32, #tpu.memory_space<hbm>> -> memref<80x128xf32, #tpu.memory_space<hbm>>
    %dma_start3A_410 = arith.constant 0 : i32
    %dma_start3A_411 = tpu.memref_slice %arg4[%add3A_404, %dma_start3A_410] : memref<20480x128xf32, #tpu.memory_space<hbm>> -> memref<80x128xf32, #tpu.memory_space<hbm>>
    %dma_start3A_412 = arith.constant 0 : i32
    %dma_start3A_413 = arith.constant 0 : i32
    %dma_start3A_414 = tpu.memref_slice %arg7[%dma_start3A_412, %dma_start3A_413] : memref<125x128xf32, #tpu.memory_space<vmem>> -> memref<80x128xf32, #tpu.memory_space<vmem>>
    tpu.enqueue_dma source(%dma_start3A_414 : memref<80x128xf32, #tpu.memory_space<vmem>>) target(%dma_start3A_411 : memref<80x128xf32, #tpu.memory_space<hbm>>) target_semaphore(%arg10 : memref<!tpu.dma_semaphore, #tpu.memory_space<semaphore_mem>>)
    %mul3A_415 = arith.constant 10240 : i32
    %mul3A_416 = arith.muli %arg0, %mul3A_415 : i32
    %dma_wait3A_417 = arith.constant 0 : i32
    %dma_wait3A_418 = arith.constant 0 : i32
    %dma_wait3A_419 = tpu.memref_slice %arg8[%dma_wait3A_417, %dma_wait3A_418] : memref<125x128xf32, #tpu.memory_space<vmem>> -> memref<80x128xf32, #tpu.memory_space<vmem>>
    %dma_wait3A_420 = arith.constant 0 : i32
    %dma_wait3A_421 = tpu.memref_slice %arg4[%mul3A_416, %dma_wait3A_420] : memref<20480x128xf32, #tpu.memory_space<hbm>> -> memref<80x128xf32, #tpu.memory_space<hbm>>
    %dma_wait3A_422 = arith.constant 0 : i32
    %dma_wait3A_423 = tpu.memref_slice %arg4[%mul3A_416, %dma_wait3A_422] : memref<20480x128xf32, #tpu.memory_space<hbm>> -> memref<80x128xf32, #tpu.memory_space<hbm>>
    %dma_wait3A_424 = arith.constant 0 : i32
    %dma_wait3A_425 = arith.constant 0 : i32
    %dma_wait3A_426 = tpu.memref_slice %arg8[%dma_wait3A_424, %dma_wait3A_425] : memref<125x128xf32, #tpu.memory_space<vmem>> -> memref<80x128xf32, #tpu.memory_space<vmem>>
    tpu.wait_dma2 semaphore(%arg11 : memref<!tpu.dma_semaphore, #tpu.memory_space<semaphore_mem>>) src(%dma_wait3A_426 : memref<80x128xf32, #tpu.memory_space<vmem>>) dst(%dma_wait3A_423 : memref<80x128xf32, #tpu.memory_space<hbm>>)
    %mul3A_427 = arith.constant 640 : i32
    %mul3A_428 = arith.muli %arg1, %mul3A_427 : i32
    %add3A_429 = arith.constant 560 : i32
    %add3A_430 = arith.addi %mul3A_428, %add3A_429 : i32
    "tpu.region"() ({
      %run_scoped3A_468 = tpu.sem_alloc : memref<!tpu.dma_semaphore, #tpu.memory_space<semaphore_mem>>
      %dma_start3A_469 = arith.constant 0 : i32
      %dma_start3A_470 = arith.constant 0 : i32
      %dma_start3A_471 = tpu.memref_slice %arg8[%dma_start3A_469, %dma_start3A_470] : memref<125x128xf32, #tpu.memory_space<vmem>> -> memref<80x128xf32, #tpu.memory_space<vmem>>
      %dma_start3A_472 = arith.constant 0 : i32
      %dma_start3A_473 = tpu.memref_slice %arg9[%add3A_430, %dma_start3A_472] : memref<10240x128xf32, #tpu.memory_space<vmem_shared>> -> memref<80x128xf32, #tpu.memory_space<vmem_shared>>
      %dma_start3A_474 = arith.constant 0 : i32
      %dma_start3A_475 = arith.constant 0 : i32
      %dma_start3A_476 = tpu.memref_slice %arg8[%dma_start3A_474, %dma_start3A_475] : memref<125x128xf32, #tpu.memory_space<vmem>> -> memref<80x128xf32, #tpu.memory_space<vmem>>
      %dma_start3A_477 = arith.constant 0 : i32
      %dma_start3A_478 = tpu.memref_slice %arg9[%add3A_430, %dma_start3A_477] : memref<10240x128xf32, #tpu.memory_space<vmem_shared>> -> memref<80x128xf32, #tpu.memory_space<vmem_shared>>
      tpu.enqueue_dma source(%dma_start3A_478 : memref<80x128xf32, #tpu.memory_space<vmem_shared>>) target(%dma_start3A_476 : memref<80x128xf32, #tpu.memory_space<vmem>>) target_semaphore(%run_scoped3A_468 : memref<!tpu.dma_semaphore, #tpu.memory_space<semaphore_mem>>)
      %dma_wait3A_479 = arith.constant 0 : i32
      %dma_wait3A_480 = arith.constant 0 : i32
      %dma_wait3A_481 = tpu.memref_slice %arg8[%dma_wait3A_479, %dma_wait3A_480] : memref<125x128xf32, #tpu.memory_space<vmem>> -> memref<80x128xf32, #tpu.memory_space<vmem>>
      %dma_wait3A_482 = arith.constant 0 : i32
      %dma_wait3A_483 = tpu.memref_slice %arg9[%add3A_430, %dma_wait3A_482] : memref<10240x128xf32, #tpu.memory_space<vmem_shared>> -> memref<80x128xf32, #tpu.memory_space<vmem_shared>>
      %dma_wait3A_484 = arith.constant 0 : i32
      %dma_wait3A_485 = arith.constant 0 : i32
      %dma_wait3A_486 = tpu.memref_slice %arg8[%dma_wait3A_484, %dma_wait3A_485] : memref<125x128xf32, #tpu.memory_space<vmem>> -> memref<80x128xf32, #tpu.memory_space<vmem>>
      %dma_wait3A_487 = arith.constant 0 : i32
      %dma_wait3A_488 = tpu.memref_slice %arg9[%add3A_430, %dma_wait3A_487] : memref<10240x128xf32, #tpu.memory_space<vmem_shared>> -> memref<80x128xf32, #tpu.memory_space<vmem_shared>>
      tpu.wait_dma2 semaphore(%run_scoped3A_468 : memref<!tpu.dma_semaphore, #tpu.memory_space<semaphore_mem>>) src(%dma_wait3A_488 : memref<80x128xf32, #tpu.memory_space<vmem_shared>>) dst(%dma_wait3A_486 : memref<80x128xf32, #tpu.memory_space<vmem>>)
      tpu.yield
    }) : () -> ()
    %mul3A_431 = arith.constant 10240 : i32
    %mul3A_432 = arith.muli %arg0, %mul3A_431 : i32
    %add3A_433 = arith.addi %mul3A_432, %add3A_430 : i32
    %dma_start3A_434 = arith.constant 0 : i32
    %dma_start3A_435 = arith.constant 0 : i32
    %dma_start3A_436 = tpu.memref_slice %arg8[%dma_start3A_434, %dma_start3A_435] : memref<125x128xf32, #tpu.memory_space<vmem>> -> memref<80x128xf32, #tpu.memory_space<vmem>>
    %dma_start3A_437 = arith.constant 0 : i32
    %dma_start3A_438 = tpu.memref_slice %arg4[%add3A_433, %dma_start3A_437] : memref<20480x128xf32, #tpu.memory_space<hbm>> -> memref<80x128xf32, #tpu.memory_space<hbm>>
    %dma_start3A_439 = arith.constant 0 : i32
    %dma_start3A_440 = tpu.memref_slice %arg4[%add3A_433, %dma_start3A_439] : memref<20480x128xf32, #tpu.memory_space<hbm>> -> memref<80x128xf32, #tpu.memory_space<hbm>>
    %dma_start3A_441 = arith.constant 0 : i32
    %dma_start3A_442 = arith.constant 0 : i32
    %dma_start3A_443 = tpu.memref_slice %arg8[%dma_start3A_441, %dma_start3A_442] : memref<125x128xf32, #tpu.memory_space<vmem>> -> memref<80x128xf32, #tpu.memory_space<vmem>>
    tpu.enqueue_dma source(%dma_start3A_443 : memref<80x128xf32, #tpu.memory_space<vmem>>) target(%dma_start3A_440 : memref<80x128xf32, #tpu.memory_space<hbm>>) target_semaphore(%arg11 : memref<!tpu.dma_semaphore, #tpu.memory_space<semaphore_mem>>)
    %mul3A_444 = arith.constant 10240 : i32
    %mul3A_445 = arith.muli %arg0, %mul3A_444 : i32
    %dma_wait3A_446 = arith.constant 0 : i32
    %dma_wait3A_447 = arith.constant 0 : i32
    %dma_wait3A_448 = tpu.memref_slice %arg7[%dma_wait3A_446, %dma_wait3A_447] : memref<125x128xf32, #tpu.memory_space<vmem>> -> memref<80x128xf32, #tpu.memory_space<vmem>>
    %dma_wait3A_449 = arith.constant 0 : i32
    %dma_wait3A_450 = tpu.memref_slice %arg4[%mul3A_445, %dma_wait3A_449] : memref<20480x128xf32, #tpu.memory_space<hbm>> -> memref<80x128xf32, #tpu.memory_space<hbm>>
    %dma_wait3A_451 = arith.constant 0 : i32
    %dma_wait3A_452 = tpu.memref_slice %arg4[%mul3A_445, %dma_wait3A_451] : memref<20480x128xf32, #tpu.memory_space<hbm>> -> memref<80x128xf32, #tpu.memory_space<hbm>>
    %dma_wait3A_453 = arith.constant 0 : i32
    %dma_wait3A_454 = arith.constant 0 : i32
    %dma_wait3A_455 = tpu.memref_slice %arg7[%dma_wait3A_453, %dma_wait3A_454] : memref<125x128xf32, #tpu.memory_space<vmem>> -> memref<80x128xf32, #tpu.memory_space<vmem>>
    tpu.wait_dma2 semaphore(%arg10 : memref<!tpu.dma_semaphore, #tpu.memory_space<semaphore_mem>>) src(%dma_wait3A_455 : memref<80x128xf32, #tpu.memory_space<vmem>>) dst(%dma_wait3A_452 : memref<80x128xf32, #tpu.memory_space<hbm>>)
    %mul3A_456 = arith.constant 10240 : i32
    %mul3A_457 = arith.muli %arg0, %mul3A_456 : i32
    %dma_wait3A_458 = arith.constant 0 : i32
    %dma_wait3A_459 = arith.constant 0 : i32
    %dma_wait3A_460 = tpu.memref_slice %arg8[%dma_wait3A_458, %dma_wait3A_459] : memref<125x128xf32, #tpu.memory_space<vmem>> -> memref<80x128xf32, #tpu.memory_space<vmem>>
    %dma_wait3A_461 = arith.constant 0 : i32
    %dma_wait3A_462 = tpu.memref_slice %arg4[%mul3A_457, %dma_wait3A_461] : memref<20480x128xf32, #tpu.memory_space<hbm>> -> memref<80x128xf32, #tpu.memory_space<hbm>>
    %dma_wait3A_463 = arith.constant 0 : i32
    %dma_wait3A_464 = tpu.memref_slice %arg4[%mul3A_457, %dma_wait3A_463] : memref<20480x128xf32, #tpu.memory_space<hbm>> -> memref<80x128xf32, #tpu.memory_space<hbm>>
    %dma_wait3A_465 = arith.constant 0 : i32
    %dma_wait3A_466 = arith.constant 0 : i32
    %dma_wait3A_467 = tpu.memref_slice %arg8[%dma_wait3A_465, %dma_wait3A_466] : memref<125x128xf32, #tpu.memory_space<vmem>> -> memref<80x128xf32, #tpu.memory_space<vmem>>
    tpu.wait_dma2 semaphore(%arg11 : memref<!tpu.dma_semaphore, #tpu.memory_space<semaphore_mem>>) src(%dma_wait3A_467 : memref<80x128xf32, #tpu.memory_space<vmem>>) dst(%dma_wait3A_464 : memref<80x128xf32, #tpu.memory_space<hbm>>)
    return
  }
}

module attributes {stable_mosaic.version = 14 : i64} {
  func.func @_tc_body(%arg0: i32, %arg1: memref<2x1000x128xf32, #tpu.memory_space<vmem>>, %arg2: memref<1000x128xf32, #tpu.memory_space<vmem>>, %arg3: memref<128x128xf32, #tpu.memory_space<vmem>>, %arg4: memref<128x128xf32, #tpu.memory_space<vmem>>, %arg5: memref<1x128xf32, #tpu.memory_space<vmem>>, %arg6: memref<1000x128xf32, #tpu.memory_space<vmem>>) attributes {dimension_semantics = [#tpu.dimension_semantics<arbitrary>], iteration_bounds = array<i64: 10>, scalar_prefetch = 0 : i64, scratch_operands = 0 : i64, tpu.core_type = #tpu.core_type<tc>, window_params = [{transform_indices = @transform_0, window_bounds = array<i64: 2, 1000, 128>}, {transform_indices = @transform_1, window_bounds = array<i64: 1000, 128>}, {pipeline_mode = #tpu.pipeline_mode<synchronous>, transform_indices = @transform_2, window_bounds = array<i64: 128, 128>}, {pipeline_mode = #tpu.pipeline_mode<synchronous>, transform_indices = @transform_3, window_bounds = array<i64: 128, 128>}, {pipeline_mode = #tpu.pipeline_mode<synchronous>, transform_indices = @transform_4, window_bounds = array<i64: 1, 128>}, {transform_indices = @transform_5, window_bounds = array<i64: 1000, 128>}]} {
    %get3A = arith.constant 0 : index
    %get3A_0 = arith.constant 0 : index
    %get3A_1 = arith.constant 0 : index
    %get3A_2 = vector.load %arg1[%get3A, %get3A_0, %get3A_1] : memref<2x1000x128xf32, #tpu.memory_space<vmem>>, vector<1x1000x128xf32>
    %get3A_3 = vector.shape_cast %get3A_2 : vector<1x1000x128xf32> to vector<1000x128xf32>
    %get3A_4 = arith.constant 1 : index
    %get3A_5 = arith.constant 0 : index
    %get3A_6 = arith.constant 0 : index
    %get3A_7 = vector.load %arg1[%get3A_4, %get3A_5, %get3A_6] : memref<2x1000x128xf32, #tpu.memory_space<vmem>>, vector<1x1000x128xf32>
    %get3A_8 = vector.shape_cast %get3A_7 : vector<1x1000x128xf32> to vector<1000x128xf32>
    %add3A = arith.addf %get3A_3, %get3A_8 : vector<1000x128xf32>
    %get3A_9 = arith.constant 0 : index
    %get3A_10 = arith.constant 0 : index
    %get3A_11 = vector.load %arg3[%get3A_9, %get3A_10] : memref<128x128xf32, #tpu.memory_space<vmem>>, vector<128x128xf32>
    %dot_general3A = arith.constant dense<0.000000e+00> : vector<1000x128xf32>
    %dot_general3A_12 = tpu.matmul %add3A, %get3A_11, %dot_general3A {dimension_numbers = #tpu.dot_dimension_numbers<[1], [0], [0], [1], [0, 0, 1, 1], [], []>, transpose_lhs_hint = false} : vector<1000x128xf32>, vector<128x128xf32>, vector<1000x128xf32> -> vector<1000x128xf32>
    %get3A_13 = arith.constant 0 : index
    %get3A_14 = arith.constant 0 : index
    %get3A_15 = vector.load %arg2[%get3A_13, %get3A_14] : memref<1000x128xf32, #tpu.memory_space<vmem>>, vector<1000x128xf32>
    %get3A_16 = arith.constant 0 : index
    %get3A_17 = arith.constant 0 : index
    %get3A_18 = vector.load %arg4[%get3A_16, %get3A_17] : memref<128x128xf32, #tpu.memory_space<vmem>>, vector<128x128xf32>
    %dot_general3A_19 = arith.constant dense<0.000000e+00> : vector<1000x128xf32>
    %dot_general3A_20 = tpu.matmul %get3A_15, %get3A_18, %dot_general3A_19 {dimension_numbers = #tpu.dot_dimension_numbers<[1], [0], [0], [1], [0, 0, 1, 1], [], []>, transpose_lhs_hint = false} : vector<1000x128xf32>, vector<128x128xf32>, vector<1000x128xf32> -> vector<1000x128xf32>
    %add3A_21 = arith.addf %dot_general3A_12, %dot_general3A_20 : vector<1000x128xf32>
    %get3A_22 = arith.constant 0 : index
    %get3A_23 = arith.constant 0 : index
    %get3A_24 = vector.load %arg5[%get3A_22, %get3A_23] : memref<1x128xf32, #tpu.memory_space<vmem>>, vector<1x128xf32>
    %add3A_25 = vector.broadcast %get3A_24 : vector<1x128xf32> to vector<1000x128xf32>
    %add3A_26 = arith.addf %add3A_21, %add3A_25 : vector<1000x128xf32>
    %swap3A = arith.constant 0 : index
    %swap3A_27 = arith.constant 0 : index
    %swap3A_28 = vector.load %arg6[%swap3A, %swap3A_27] : memref<1000x128xf32, #tpu.memory_space<vmem>>, vector<1000x128xf32>
    tpu.vector_store %arg6[%swap3A, %swap3A_27], %add3A_26 {strides = array<i32>} : memref<1000x128xf32, #tpu.memory_space<vmem>>, vector<1000x128xf32>,
    return
  }
  func.func @transform_0(%arg0: i32) -> (i32, i32, i32) {
    %c0_i32 = arith.constant 0 : i32
    %c0_i32_0 = arith.constant 0 : i32
    %c0_i32_1 = arith.constant 0 : i32
    return %c0_i32, %arg0, %c0_i32_0 : i32, i32, i32
  }
  func.func @transform_1(%arg0: i32) -> (i32, i32) {
    %c0_i32 = arith.constant 0 : i32
    %c0_i32_0 = arith.constant 0 : i32
    return %arg0, %c0_i32 : i32, i32
  }
  func.func @transform_2(%arg0: i32) -> (i32, i32) {
    %c0_i32 = arith.constant 0 : i32
    %c0_i32_0 = arith.constant 0 : i32
    %c0_i32_1 = arith.constant 0 : i32
    return %c0_i32, %c0_i32_0 : i32, i32
  }
  func.func @transform_3(%arg0: i32) -> (i32, i32) {
    %c0_i32 = arith.constant 0 : i32
    %c0_i32_0 = arith.constant 0 : i32
    %c0_i32_1 = arith.constant 0 : i32
    return %c0_i32, %c0_i32_0 : i32, i32
  }
  func.func @transform_4(%arg0: i32) -> (i32, i32) {
    %c0_i32 = arith.constant 0 : i32
    %c0_i32_0 = arith.constant 0 : i32
    %c0_i32_1 = arith.constant 0 : i32
    return %c0_i32, %c0_i32_0 : i32, i32
  }
  func.func @transform_5(%arg0: i32) -> (i32, i32) {
    %c0_i32 = arith.constant 0 : i32
    %c0_i32_0 = arith.constant 0 : i32
    return %arg0, %c0_i32 : i32, i32
  }
}

</mosaic_0001>

<sc_bundles>
// kernel: kernel.4.cloned.1.call-start
scs
__scs_entry_jumppad:
0x0: {  	(pc) =	sbr.rel $0x88, $3  }
0x1: {  	(tag) =	ssettag $0x0;
	lr =	simm.s32 $0x1  }
0x2: {  	[smem:$0x3F9C] =	sst lr;
	_ =	strace $0xD0000000  }
0x3: {  	_ = 	snop  }
0x4: {  	_ = 	snop  }
0x5: {  	_ = 	snop  }
0x6: {  	_ = 	snop  }
0x7: {  	_ = 	snop  }
__scs_overlays_trampoline_lowered:
0x8: {  	[smem:$0x3FAB] =	sst s0  }
0x9: {  	[smem:$0x3FAC] =	sst s1  }
0xa: {  	[smem:$0x3FAD] =	sst s2  }
0xb: {  	[smem:$0x3FAE] =	sst s3  }
0xc: {  	[smem:$0x3FAF] =	sst s4  }
0xd: {  	[smem:$0x3FB0] =	sst s5  }
0xe: {  	[smem:$0x3FB1] =	sst s6  }
0xf: {  	[smem:$0x3FB2] =	sst s7  }
0x10: {  	[smem:$0x3FB3] =	sst s8  }
0x11: {  	[smem:$0x3FB4] =	sst s9;
	s0 =	simm.s32 @!p0 $0x0  }
0x12: {  	s1 =	sld [smem:$0x3F9A];
	s0 =	simm.s32 @p0 $0x1  }
0x13: {  	[smem:$0x3FB5] =	sst s0;
	s0 =	simm.s32 @!p1 $0x0  }
0x14: {  	s2 =	sld [smem:$0x3F99];
	s0 =	simm.s32 @p1 $0x1  }
0x15: {  	[smem:$0x3FB6] =	sst s0;
	s0 =	simm.s32 @!p2 $0x0  }
0x16: {  	s3 =	sld [smem:$0x3FDB];
	s0 =	simm.s32 @p2 $0x1  }
0x17: {  	s4 =	simm.s32 $0x1BF5;
	[smem:$0x3FB8] =	sst s0  }
0x18: {  	s0 =	sld [smem:$0x3F9B];
	_ =	swait.ge [sflag:s4], $0x0  }
0x19: {  	s7 =	sld [smem:$0x3F9C]  }
0x1a: {  	s8 =	sadd.s32 $0xFFFFE003, lr  }
0x1b: {  	s9 =	sadd.s32 $0xFFFFFEF7, lr;
	s5 =	simm.s32 $0xFFFFFFFF;
	p2 =	slt.u32 s8, $0xFFFFF086  }
0x1c: {  	p1 =	slt.u32 s9, $0xF7A;
	s5 =	simm.s32 @!p2 $0x0  }
0x1d: {  	s5 =	simm.s32 @p1 $0x1;
	p0 =	seq.s32 s7, s2  }
0x1e: {  	s7 =	smul.u32 @!p0 $0xF7A, s2;
	p2 =	seq.s32 @!p0 s5, $0x0  }
0x1f: {  	s9 =	smul.u32 $0xF7A, s1;
	s8 =	simm.s32 @!p0 $0x1BF5;
	p2 =	por !p2, p0  }
0x20: {  	[sflag:s8] =	ssyncset.s32 @!p0 $0xFFFFF086;
	s6 =	sadd.s32 @!p0 s3, s7;
	s7 =	simm.s32 @!p0 $0x108  }
0x21: {  	s3 =	sadd.s32 s3, s9;
	s6 =	sadd.s32 @!p0 $0x88, s6;
	s7 =	simm.s32 @p2 $0x1082  }
0x22: {  	[simem:s7], [sflag:s8] =	dma.local @!p0 [hbm:s6], $0xF7A  }
0x23: {  	s9 =	sor.u32 $0xD0000000, s2;
	s6 =	simm.s32 $0x108;
	_ =	swait.ge @!p0 [sflag:s8], $0x0  }
0x24: {  	s3 =	sadd.s32 $0x88, s3;
	s6 =	simm.s32 @!p1 $0x1082;
	[sflag:s4] =	ssyncset.s32 $0xFFFFF086  }
0x25: {  	[simem:s6], [sflag:s4] =	dma.local [hbm:s3], $0xF7A  }
0x26: {  	[smem:$0x3F9C] =	sst s1;
	(tag) =	ssettag s2;
	_ =	strace s9  }
0x27: {  	s1 =	sld [smem:$0x3FAC]  }
0x28: {  	s2 =	sld [smem:$0x3FAD]  }
0x29: {  	s4 =	sld [smem:$0x3FAF]  }
0x2a: {  	p0 =	seq.s32 s5, $0x0;
	s5 =	sld [smem:$0x3FB0]  }
0x2b: {  	s6 =	sld [smem:$0x3FB1]  }
0x2c: {  	s7 =	sld [smem:$0x3FB2]  }
0x2d: {  	s3 =	simm.s32 $0x108;
	s8 =	sld [smem:$0x3FB3]  }
0x2e: {  	s3 =	simm.s32 @!p0 $0x1082;
	s9 =	sld [smem:$0x3FB4]  }
0x2f: {  	lr =	sadd.s32 s0, s3;
	s0 =	sld [smem:$0x3FAB]  }
0x30: {  	s3 =	sld [smem:$0x3FAE]  }
0x31: {  	[smem:$0x3FB7] =	sst s10  }
0x32: {  	s10 =	sld [smem:$0x3FB5];
	_ =	sdelay $0x3  }
0x33: {  	p0 =	seq.s32 s10, $0x1;
	s10 =	sld [smem:$0x3FB7];
	_ =	sdelay $0x3  }
0x34: {  	[smem:$0x3FB7] =	sst s10  }
0x35: {  	s10 =	sld [smem:$0x3FB6];
	_ =	sdelay $0x3  }
0x36: {  	p1 =	seq.s32 s10, $0x1;
	s10 =	sld [smem:$0x3FB7];
	_ =	sdelay $0x3  }
0x37: {  	[smem:$0x3FB7] =	sst s10  }
0x38: {  	s10 =	sld [smem:$0x3FB8]  }
0x39: {  	_ = 	snop;
	(pc) =	sbr.ind lr, $3  }
0x3a: {  	_ = 	snop  }
0x3b: {  	_ = 	snop  }
0x3c: {  	p2 =	seq.s32 s10, $0x1;
	s10 =	sld [smem:$0x3FB7]  }
0x3d: {  	_ =	shalt  }
0x3e: {  	_ =	shalt  }
0x3f: {  	_ =	shalt  }
0x40: {  	_ =	shalt  }
0x41: {  	_ =	shalt  }
0x42: {  	_ =	shalt  }
0x43: {  	_ =	shalt  }
0x44: {  	_ =	shalt  }
0x45: {  	_ =	shalt  }
0x46: {  	_ =	shalt  }
0x47: {  	_ =	shalt  }
0x48: {  	_ =	shalt  }
0x49: {  	_ =	shalt  }
0x4a: {  	_ =	shalt  }
0x4b: {  	_ =	shalt  }
0x4c: {  	_ =	shalt  }
0x4d: {  	_ =	shalt  }
0x4e: {  	_ =	shalt  }
0x4f: {  	_ =	shalt  }
0x50: {  	_ =	shalt  }
0x51: {  	_ =	shalt  }
0x52: {  	_ =	shalt  }
0x53: {  	_ =	shalt  }
0x54: {  	_ =	shalt  }
0x55: {  	_ =	shalt  }
0x56: {  	_ =	shalt  }
0x57: {  	_ =	shalt  }
0x58: {  	_ =	shalt  }
0x59: {  	_ =	shalt  }
0x5a: {  	_ =	shalt  }
0x5b: {  	_ =	shalt  }
0x5c: {  	_ =	shalt  }
0x5d: {  	_ =	shalt  }
0x5e: {  	_ =	shalt  }
0x5f: {  	_ =	shalt  }
0x60: {  	_ =	shalt  }
0x61: {  	_ =	shalt  }
0x62: {  	_ =	shalt  }
0x63: {  	_ =	shalt  }
0x64: {  	_ =	shalt  }
0x65: {  	_ =	shalt  }
0x66: {  	_ =	shalt  }
0x67: {  	_ =	shalt  }
0x68: {  	_ =	shalt  }
0x69: {  	_ =	shalt  }
0x6a: {  	_ =	shalt  }
0x6b: {  	_ =	shalt  }
0x6c: {  	_ =	shalt  }
0x6d: {  	_ =	shalt  }
0x6e: {  	_ =	shalt  }
0x6f: {  	_ =	shalt  }
0x70: {  	_ =	shalt  }
0x71: {  	_ =	shalt  }
0x72: {  	_ =	shalt  }
0x73: {  	_ =	shalt  }
0x74: {  	_ =	shalt  }
0x75: {  	_ =	shalt  }
0x76: {  	_ =	shalt  }
0x77: {  	_ =	shalt  }
0x78: {  	_ =	shalt  }
0x79: {  	_ =	shalt  }
0x7a: {  	_ =	shalt  }
0x7b: {  	_ =	shalt  }
0x7c: {  	_ =	shalt  }
0x7d: {  	_ =	shalt  }
0x7e: {  	_ =	shalt  }
0x7f: {  	_ =	shalt  }
0x80: {  	_ =	shalt  }
0x81: {  	_ =	shalt  }
0x82: {  	_ =	shalt  }
0x83: {  	_ =	shalt  }
0x84: {  	_ =	shalt  }
0x85: {  	_ =	shalt  }
0x86: {  	_ =	shalt  }
0x87: {  	_ =	shalt  }
.Lfunc_end0:
.L_simem_size_0:
called_computation_lowered:
.L_overlay_start_0:
0x88: {  	s2 =	sld [smem:$0x3FD9]  }
0x89: {  	s3 =	sld [smem:$0x3FFE];
	_ =	sdelay $0x1  }
0x8a: {  	s1 =	srdreg.scid  }
0x8b: {  	s0 =	sand.u32 $0x1, s1  }
0x8c: {  	s17 =	sshll.u32 s0, $0xA;
	s2 =	sadd.s32 s3, s2  }
0x8d: {  	s2 =	sadd.s32 s2, s17  }
0x8e: {  	[smem:$0x3FC3] =	sst s2  }
0x8f: {  	_ = 	snop  }
0x90: {  	s2 =	sld [smem:$0x3FC9]  }
0x91: {  	s18 =	sld [smem:$0x3FD0];
	(tm) =	ssettm $0x1  }
0x92: {  	s4 =	sld [smem:$0x3FFB];
	_ =	sdelay $0x3  }
0x93: {  	_ =	strace s4  }
0x94: {  	s4 =	sld [smem:$0x3FFC];
	_ =	sdelay $0x3  }
0x95: {  	_ =	strace s4  }
0x96: {  	s4 =	sld [smem:$0x3FFD];
	_ =	sdelay $0x3  }
0x97: {  	_ =	strace s4  }
0x98: {  	_ =	strace $0x8FFFFFFF  }
0x99: {  	s19 =	sld [smem:$0x3FDB];
	_ =	sdelay $0x1  }
0x9a: {  	s5 =	simm.s32 $_scs_section_size  }
0x9b: {  	s6 =	simm.s32 $_size__tile_overlayer_lowered;
	s7 =	simm.s32 $_tile_overlayer_lowered  }
0x9c: {  	s22 =	simm.s32 $0x1BFF;
	s21 =	sshll.u32 s7, $0x1;
	s4 =	sadd.s32 s5, s19  }
0x9d: {  	s8 =	simm.s32 $0x0;
	s20 =	sshll.u32 s6, $0x1;
	s6 =	sadd.s32 s21, s4  }
0x9e: {  	[timem:s8], [sflag:s22] =	dma.local [hbm:s6], s20  }
0x9f: {  	_ =	swait.ge [sflag:s22], s20  }
0xa0: {  	s5 =	ssub.s32 $0x0, s20;
	[sflag:s22] =	ssyncset.done $0x0  }
0xa1: {  	[sflag:s22] =	ssyncadd.s32 s5;
	_ =	sdelay $0x1  }
0xa2: {  	s23 =	simm.s32 $0x1B8B  }
0xa3: {  	_ =	swait.ge [sflag:s23], $0x1  }
0xa4: {  	[sflag:s23] =	ssyncset.done $0x0  }
0xa5: {  	s25 =	simm.s32 $0x1B8E;
	s24 =	sld [smem:$0x3FFE];
	[sflag:s23] =	ssyncadd.s32 $0xFFFFFFFF  }
0xa6: {  	s26 =	simm.s32 $execute0_lowered;
	[smem:$0x3FD2] =	sst s25  }
0xa7: {  	s6 =	sshll.u32 s26, $0x1;
	_ =	strace $0x80000046;
	[dreg:$0x1] =	wrdreg $0xFFFFFFFF  }
0xa8: {  	s28 =	simm.s32 $_size_execute0_lowered;
	s4 =	sadd.s32 s4, s6;
	[dreg:$0x0] =	wrdreg $0x0  }
0xa9: {  	s6 =	sshll.u32 s28, $0x1;
	[dreg:$0x2] =	wrdreg s4  }
0xaa: {  	[dreg:$0x3] =	wrdreg s6  }
0xab: {  	[dreg:$0x4] =	wrdreg $0xC0  }
0xac: {  	_ =	task [dreg:s8], $0x5FFFF  }
0xad: {  	[dreg:$0x1] =	wrdreg $0xFFFFFFFF  }
0xae: {  	[dreg:$0x0] =	wrdreg $0x60  }
0xaf: {  	[dreg:$0x2] =	wrdreg s2  }
0xb0: {  	[dreg:$0x3] =	wrdreg s18  }
0xb1: {  	[dreg:$0x4] =	wrdreg s24  }
0xb2: {  	[dreg:$0x5] =	wrdreg $0x88000  }
0xb3: {  	[dreg:$0x6] =	wrdreg $0x9  }
0xb4: {  	_ =	task.clear_ibuf [dreg:s8], $0x7FFFF;
	_ =	strace $0x90000046  }
0xb5: {  	s29 =	simm.s32 $0x9;
	_ =	strace $0x80000048  }
0xb6: {  	_ =	swait.ge [sflag:s29], $0x1  }
0xb7: {  	[sflag:s29] =	ssyncadd.s32 $0xFFFFFFFF  }
0xb8: {  	_ =	strace $0x90000048  }
0xb9: {  	_ =	sfence  }
0xba: {  	s30 =	sld [smem:$0x0];
	_ =	sdelay $0x2  }
0xbb: {  	s31 =	sshll.u32 s1, $0xD;
	s1 =	sshrl.u32 s1, $0x2  }
0xbc: {  	s3 =	sand.u32 $0x4000, s31;
	s1 =	sadd.s32 s1, s30  }
0xbd: {  	s0 =	sor.u32 s3, s0;
	s1 =	sshll.u32 s1, $0x11  }
0xbe: {  	s0 =	sor.u32 s1, s0  }
0xbf: {  	s0 =	sadd.s32 $0x8F2B, s0  }
0xc0: {  	[sflag:s0] =	ssyncadd.remote.s32 $0x1  }
0xc1: {  	_ =	sfence.sel $0xFFFF  }
0xc2: {  	[dreg:$0x0] =	wrdreg $0xFFFFFFFF;
	(pc) =	sbr.abs _section_cstart, $3  }
0xc3: {  	[dreg:$0x1] =	wrdreg $0xFFFFFFFF  }
0xc4: {  	_ =	task.clear_ibuf [dreg:s8], $0x2FFFF;
	_ =	strace $0x9FFFFFFF  }
0xc5: {  	(tm) =	ssettm $0x7FFFFFFF  }
tec
execute0_lowered:
.L_overlay_start_1:
0x0: {  	(tag) =	ssettag $0x1  }
0x1: {  	s0 =	rddreg [dreg:$0x0]  }
0x2: {  	s1 =	rddreg [dreg:$0x1]  }
0x3: {  	s2 =	srdreg.scid;
	s5 =	rddreg [dreg:$0x2]  }
0x4: {  	s3 =	rddreg [dreg:$0x3];
	s15 =	stileid.u32;
	s4 =	simm.s32 $0x0  }
0x5: {  	s28 =	simm.s32 $0x3;
	s29 =	simm.s32 $0x7D;
	s30 =	simm.s32 $0x100  }
0x6: {  	s31 =	simm.s32 $0x4800;
	s2 =	sand.u32 $0x1, s2;
	s8 =	smul.u32 $0x280, s15  }
0x7: {  	[smem:$0x7FF] =	sst s4;
	s5 =	sadd.s32 $0x1400, s5;
	s10 =	smul.u32 $0x50000, s15  }
0x8: {  	s6 =	sshll.u32 s2, $0x4;
	_ =	strace $0x80000047;
	s23 =	smul.u32 $0x50000, s2  }
0x9: {  	s7 =	ssub.s32 $0x2, s2;
	s2 =	smul.u32 $0x2800, s2;
	s6 =	sor.u32 s15, s6  }
0xa: {  	s9 =	sshrl.u32 s7, $0x1;
	s14 =	sshrl.u32 s10, $0x2;
	s18 =	sadd.s32 $0xA0, s8  }
0xb: {  	s11 =	sadd.s32 $0xF0, s8;
	s12 =	sadd.s32 $0x140, s8;
	s15 =	smul.u32 $0x5000, s15  }
0xc: {  	s24 =	sadd.s32 $0x190, s8;
	s26 =	sadd.s32 $0x230, s8;
	s6 =	smul.u32 $0x5000, s6  }
0xd: {  	s7 =	ssub.s32 s7, s9;
	s9 =	sor.u32 $0x50, s8;
	s21 =	sadd.s32 s14, s3  }
0xe: {  	s19 =	sshll.u32 s18, $0x7;
	s20 =	sshll.u32 s11, $0x7;
	s13 =	sshll.u32 s12, $0x7  }
0xf: {  	s14 =	sadd.s32 $0x1E0, s8;
	s8 =	sadd.s32 s8, s2;
	s11 =	sadd.s32 s2, s11  }
0x10: {  	s12 =	sadd.s32 s2, s12;
	s16 =	sshll.u32 s9, $0x7;
	s10 =	sadd.s32 s19, s3  }
0x11: {  	s22 =	sadd.s32 s13, s3;
	s9 =	sadd.s32 s2, s9;
	s13 =	sadd.s32 s2, s24  }
0x12: {  	s8 =	sshll.u32 s8, $0x4;
	[dreg:$0x6] =	wrdreg s21;
	s6 =	sshrl.u32 s6, $0x3  }
0x13: {  	s17 =	sadd.s32 s16, s3;
	[dreg:$0x8] =	wrdreg s10;
	s10 =	sadd.s32 s20, s3  }
0x14: {  	[dreg:$0xa] =	wrdreg s22;
	s16 =	sshll.u32 s24, $0x7;
	s9 =	sshll.u32 s9, $0x4  }
0x15: {  	s8 =	sadd.s32 s5, s8;
	s19 =	sshll.u32 s13, $0x4;
	[dreg:$0x7] =	wrdreg s17  }
0x16: {  	s13 =	simm.s32 $0x200;
	s6 =	sadd.s32 s1, s6;
	[dreg:$0x9] =	wrdreg s10  }
0x17: {  	s17 =	sshll.u32 s14, $0x7;
	s16 =	sadd.s32 s16, s3;
	s10 =	sadd.s32 s15, s23  }
0x18: {  	s14 =	sadd.s32 s2, s14;
	s15 =	sshll.u32 s26, $0x7;
	[dreg:$0xd] =	wrdreg s8  }
0x19: {  	s9 =	sadd.s32 s5, s9;
	s8 =	simm.s32 $0x680;
	[dreg:$0x5] =	wrdreg s6  }
0x1a: {  	[dreg:$0xb] =	wrdreg s16;
	s25 =	sadd.s32 s17, s3;
	s6 =	sadd.s32 s2, s18  }
0x1b: {  	s2 =	sadd.s32 s2, s26;
	[dreg:$0xe] =	wrdreg s9;
	s16 =	sshll.u32 s11, $0x4  }
0x1c: {  	s17 =	sshll.u32 s12, $0x4;
	s20 =	sshll.u32 s14, $0x4;
	s22 =	sor.u32 $0x800, s10  }
0x1d: {  	s23 =	sadd.s32 s15, s3;
	s24 =	sor.u32 $0x400, s10;
	s14 =	simm.s32 $0x2  }
0x1e: {  	s15 =	simm.s32 $0x180;
	s9 =	simm.s32 $0x780;
	s10 =	simm.s32 $0x0  }
0x1f: {  	[dreg:$0xc] =	wrdreg s25;
	s6 =	sshll.u32 s6, $0x4;
	s18 =	sadd.s32 s5, s17  }
0x20: {  	s2 =	sshll.u32 s2, $0x4;
	[dreg:$0x15] =	wrdreg s23;
	s25 =	smax.u32 s7, $0x1  }
0x21: {  	s26 =	sshrl.u32 s24, $0x3;
	s17 =	simm.s32 $0x280;
	s7 =	simm.s32 $0x700  }
0x22: {  	s6 =	sadd.s32 s5, s6;
	[dreg:$0x11] =	wrdreg s18;
	s2 =	sadd.s32 s5, s2  }
0x23: {  	[dreg:$0x16] =	wrdreg s25;
	s24 =	sadd.s32 s26, s1;
	s25 =	simm.s32 $0x4  }
0x24: {  	s26 =	simm.s32 $0x800;
	s18 =	simm.s32 $0x380;
	[dreg:$0xf] =	wrdreg s6  }
0x25: {  	s6 =	sadd.s32 s5, s16;
	[dreg:$0x14] =	wrdreg s2;
	s2 =	sshrl.u32 s22, $0x3  }
.Ltmp0:
0x26: {  	s16 =	simm.s32 $0x300;
	s22 =	simm.s32 $0x600;
	(pc) =	sbr.rel .LBB2_1-.Ltmp0, $4  }
0x27: {  	[dreg:$0x10] =	wrdreg s6;
	s6 =	sadd.s32 s5, s19;
	s23 =	sadd.s32 s2, s1  }
0x28: {  	s1 =	simm.s32 $0x400;
	s2 =	simm.s32 $0x1;
	s19 =	simm.s32 $0x500  }
0x29: {  	[dreg:$0x12] =	wrdreg s6;
	s6 =	sadd.s32 s5, s20;
	s5 =	simm.s32 $0x80  }
0x2a: {  	v0 =	vimm.f32 $0.0e+00;
	s20 =	simm.s32 $0x480;
	[dreg:$0x13] =	wrdreg s6;
	s6 =	simm.s32 $0x580  }
.LBB2_6:
0x2b: {  	_ =	swait.ge [sflag:s14], $0x3E80  }
0x2c: {  	[sflag:s14] =	ssyncset.done $0x0  }
0x2d: {  	[sflag:s14] =	ssyncadd.s32 $0xFFFFC180  }
0x2e: {  	[spmem:s3] =	stream.indirect.scatter.add.f32 [tilespmem:s31], [sflag:$0x4], $0x80, s9, s29, $0xb8;
	[tilespmem:$0x1C800] =	vst v63  }
0x2f: {  	_ =	swait.ge [sflag:s25], $0x3E80  }
0x30: {  	[sflag:s25] =	ssyncset.done $0x0  }
0x31: {  	[sflag:s25] =	ssyncadd.s32 $0xFFFFC180  }
0x32: {  	[bflag:$0x0] =	sbarrier.arrive $0xFFFF  }
0x33: {  	s21 =	rddreg [dreg:$0x6]  }
0x34: {  	[tilespmem:s26], [sflag:$0x4] =	stream.linear.gather [spmem:s21], $0x2800, $0x38;
	[tilespmem:$0x1C800] =	vst v63  }
0x35: {  	_ =	swait.ge [sflag:s25], $0x2800  }
0x36: {  	[sflag:s25] =	ssyncset.done $0x0  }
0x37: {  	s11 =	rddreg [dreg:$0xd];
	[sflag:s25] =	ssyncadd.s32 $0xFFFFD800  }
0x38: {  	[hbm4b:s11+s4] =	stream.linear.scatter [tilespmem:s26], [sflag:$0x1], $0x2800, $0x38;
	[tilespmem:$0x1C800] =	vst v63  }
0x39: {  	s12 =	rddreg [dreg:$0x7]  }
0x3a: {  	[tilespmem:s31], [sflag:$0x4] =	stream.linear.gather [spmem:s12], $0x2800, $0x38;
	[tilespmem:$0x1C800] =	vst v63  }
0x3b: {  	_ =	swait.ge [sflag:s25], $0x2800  }
0x3c: {  	[sflag:s25] =	ssyncset.done $0x0  }
0x3d: {  	s12 =	rddreg [dreg:$0xe];
	[sflag:s25] =	ssyncadd.s32 $0xFFFFD800  }
0x3e: {  	[hbm4b:s12+s4] =	stream.linear.scatter [tilespmem:s31], [sflag:$0x2], $0x2800, $0x38;
	[tilespmem:$0x1C800] =	vst v63  }
0x3f: {  	_ =	swait.ge [sflag:s2], $0x2800  }
0x40: {  	[sflag:s2] =	ssyncset.done $0x0  }
0x41: {  	s12 =	rddreg [dreg:$0x8];
	[sflag:s2] =	ssyncadd.s32 $0xFFFFD800  }
0x42: {  	[tilespmem:s26], [sflag:$0x4] =	stream.linear.gather [spmem:s12], $0x2800, $0x38;
	[tilespmem:$0x1C800] =	vst v63  }
0x43: {  	_ =	swait.ge [sflag:s25], $0x2800  }
0x44: {  	[sflag:s25] =	ssyncset.done $0x0  }
0x45: {  	s12 =	rddreg [dreg:$0xf];
	[sflag:s25] =	ssyncadd.s32 $0xFFFFD800  }
0x46: {  	[hbm4b:s12+s4] =	stream.linear.scatter [tilespmem:s26], [sflag:$0x1], $0x2800, $0x38;
	[tilespmem:$0x1C800] =	vst v63  }
0x47: {  	_ =	swait.ge [sflag:s14], $0x2800  }
0x48: {  	[sflag:s14] =	ssyncset.done $0x0  }
0x49: {  	s12 =	rddreg [dreg:$0x9];
	[sflag:s14] =	ssyncadd.s32 $0xFFFFD800  }
0x4a: {  	[tilespmem:s31], [sflag:$0x4] =	stream.linear.gather [spmem:s12], $0x2800, $0x38;
	[tilespmem:$0x1C800] =	vst v63  }
0x4b: {  	_ =	swait.ge [sflag:s25], $0x2800  }
0x4c: {  	[sflag:s25] =	ssyncset.done $0x0  }
0x4d: {  	s12 =	rddreg [dreg:$0x10];
	[sflag:s25] =	ssyncadd.s32 $0xFFFFD800  }
0x4e: {  	[hbm4b:s12+s4] =	stream.linear.scatter [tilespmem:s31], [sflag:$0x2], $0x2800, $0x38;
	[tilespmem:$0x1C800] =	vst v63  }
0x4f: {  	_ =	swait.ge [sflag:s2], $0x2800  }
0x50: {  	[sflag:s2] =	ssyncset.done $0x0  }
0x51: {  	s12 =	rddreg [dreg:$0xa];
	[sflag:s2] =	ssyncadd.s32 $0xFFFFD800  }
0x52: {  	[tilespmem:s26], [sflag:$0x4] =	stream.linear.gather [spmem:s12], $0x2800, $0x38;
	[tilespmem:$0x1C800] =	vst v63  }
0x53: {  	_ =	swait.ge [sflag:s25], $0x2800  }
0x54: {  	[sflag:s25] =	ssyncset.done $0x0  }
0x55: {  	s12 =	rddreg [dreg:$0x11];
	[sflag:s25] =	ssyncadd.s32 $0xFFFFD800  }
0x56: {  	[hbm4b:s12+s4] =	stream.linear.scatter [tilespmem:s26], [sflag:$0x1], $0x2800, $0x38;
	[tilespmem:$0x1C800] =	vst v63  }
0x57: {  	_ =	swait.ge [sflag:s14], $0x2800  }
0x58: {  	[sflag:s14] =	ssyncset.done $0x0  }
0x59: {  	s12 =	rddreg [dreg:$0xb];
	[sflag:s14] =	ssyncadd.s32 $0xFFFFD800  }
0x5a: {  	[tilespmem:s31], [sflag:$0x4] =	stream.linear.gather [spmem:s12], $0x2800, $0x38;
	[tilespmem:$0x1C800] =	vst v63  }
0x5b: {  	_ =	swait.ge [sflag:s25], $0x2800  }
0x5c: {  	[sflag:s25] =	ssyncset.done $0x0  }
0x5d: {  	s12 =	rddreg [dreg:$0x12];
	[sflag:s25] =	ssyncadd.s32 $0xFFFFD800  }
0x5e: {  	[hbm4b:s12+s4] =	stream.linear.scatter [tilespmem:s31], [sflag:$0x2], $0x2800, $0x38;
	[tilespmem:$0x1C800] =	vst v63  }
0x5f: {  	_ =	swait.ge [sflag:s2], $0x2800  }
0x60: {  	[sflag:s2] =	ssyncset.done $0x0  }
0x61: {  	s12 =	rddreg [dreg:$0xc];
	[sflag:s2] =	ssyncadd.s32 $0xFFFFD800  }
0x62: {  	[tilespmem:s26], [sflag:$0x4] =	stream.linear.gather [spmem:s12], $0x2800, $0x38;
	[tilespmem:$0x1C800] =	vst v63  }
0x63: {  	_ =	swait.ge [sflag:s25], $0x2800  }
0x64: {  	[sflag:s25] =	ssyncset.done $0x0  }
0x65: {  	s12 =	rddreg [dreg:$0x13];
	[sflag:s25] =	ssyncadd.s32 $0xFFFFD800  }
0x66: {  	[hbm4b:s12+s4] =	stream.linear.scatter [tilespmem:s26], [sflag:$0x1], $0x2800, $0x38;
	[tilespmem:$0x1C800] =	vst v63  }
0x67: {  	_ =	swait.ge [sflag:s14], $0x2800  }
0x68: {  	[sflag:s14] =	ssyncset.done $0x0  }
0x69: {  	s12 =	rddreg [dreg:$0x15];
	[sflag:s14] =	ssyncadd.s32 $0xFFFFD800  }
0x6a: {  	[tilespmem:s31], [sflag:$0x4] =	stream.linear.gather [spmem:s12], $0x2800, $0x38;
	[tilespmem:$0x1C800] =	vst v63  }
0x6b: {  	_ =	swait.ge [sflag:s25], $0x2800  }
0x6c: {  	[sflag:s25] =	ssyncset.done $0x0  }
0x6d: {  	s12 =	rddreg [dreg:$0x14];
	[sflag:s25] =	ssyncadd.s32 $0xFFFFD800  }
0x6e: {  	[hbm4b:s12+s4] =	stream.linear.scatter [tilespmem:s31], [sflag:$0x2], $0x2800, $0x38;
	[tilespmem:$0x1C800] =	vst v63  }
0x6f: {  	_ =	swait.ge [sflag:s2], $0x2800  }
0x70: {  	[sflag:s2] =	ssyncset.done $0x0  }
0x71: {  	[sflag:s2] =	ssyncadd.s32 $0xFFFFD800  }
0x72: {  	_ =	swait.ge [sflag:s14], $0x2800  }
0x73: {  	s10 =	sadd.s32 $0x1, s10;
	s12 =	rddreg [dreg:$0x16]  }
0x74: {  	p0 =	sne.s32 s10, s12  }
.Ltmp1:
0x75: {  	_ = 	snop;
	(pc) =	sbr.rel @!p0 .LBB2_7-.Ltmp1, $3  }
0x76: {  	_ =	sdelay $0x1  }
0x77: {  	[sflag:s14] =	ssyncset.done $0x0  }
0x78: {  	[sflag:s14] =	ssyncadd.s32 $0xFFFFD800  }
.LBB2_1:
0x79: {  	s11 =	rddreg [dreg:$0x5]  }
0x7a: {  	[tilespmem:s4], [sflag:$0x4] =	stream.linear.gather [hbm4b:s11+s4], $0x400, $0x38;
	[tilespmem:$0x1C800] =	vst v63  }
0x7b: {  	_ =	swait.ge [sflag:s25], $0x400  }
0x7c: {  	[sflag:s25] =	ssyncset.done $0x0  }
0x7d: {  	s12 =	simm.s32 $0x200;
	s11 =	simm.s32 $0x0;
	[sflag:s25] =	ssyncadd.s32 $0xFFFFFC00  }
.LBB2_2:
0x7e: {  	p0 =	sne.s32 s12, $0x9E00;
	[tilespmem:s11+$0x870] =	vst v0  }
0x7f: {  	[tilespmem:s11+$0x800] =	vst v0  }
0x80: {  	[tilespmem:s11+$0x810] =	vst v0  }
.Ltmp2:
0x81: {  	[tilespmem:s11+$0x820] =	vst v0;
	(pc) =	sbr.rel @p0 .LBB2_2-.Ltmp2, $4  }
0x82: {  	[tilespmem:s11+$0x830] =	vst v0  }
0x83: {  	[tilespmem:s11+$0x840] =	vst v0  }
0x84: {  	[tilespmem:s11+$0x850] =	vst v0  }
0x85: {  	[tilespmem:s11+$0x860] =	vst v0;
	s11 =	sshra.s32 s12, $0x2;
	s12 =	sadd.s32 $0x200, s12  }
0x86: {  	[tilespmem:s11+$0x870] =	vst v0  }
0x87: {  	[tilespmem:s11+$0x800] =	vst v0  }
0x88: {  	[tilespmem:s11+$0x810] =	vst v0  }
0x89: {  	[tilespmem:s11+$0x820] =	vst v0  }
0x8a: {  	[tilespmem:s11+$0x830] =	vst v0  }
0x8b: {  	[tilespmem:s11+$0x840] =	vst v0  }
0x8c: {  	[tilespmem:s11+$0x850] =	vst v0  }
0x8d: {  	[tilespmem:s11+$0x860] =	vst v0  }
0x8e: {  	[spmem:s21] =	stream.linear.scatter [tilespmem:s26], [sflag:$0x3], $0x2800, $0x38;
	[tilespmem:$0x1C800] =	vst v63  }
0x8f: {  	s21 =	rddreg [dreg:$0x7]  }
0x90: {  	[spmem:s21] =	stream.linear.scatter [tilespmem:s26], [sflag:$0x3], $0x2800, $0x38;
	[tilespmem:$0x1C800] =	vst v63  }
0x91: {  	s12 =	rddreg [dreg:$0x8]  }
0x92: {  	[spmem:s12] =	stream.linear.scatter [tilespmem:s26], [sflag:$0x3], $0x2800, $0x38;
	[tilespmem:$0x1C800] =	vst v63  }
0x93: {  	s21 =	rddreg [dreg:$0x9]  }
0x94: {  	[spmem:s21] =	stream.linear.scatter [tilespmem:s26], [sflag:$0x3], $0x2800, $0x38;
	[tilespmem:$0x1C800] =	vst v63  }
0x95: {  	s12 =	rddreg [dreg:$0xa]  }
0x96: {  	[spmem:s12] =	stream.linear.scatter [tilespmem:s26], [sflag:$0x3], $0x2800, $0x38;
	[tilespmem:$0x1C800] =	vst v63  }
0x97: {  	s21 =	rddreg [dreg:$0xb]  }
0x98: {  	[spmem:s21] =	stream.linear.scatter [tilespmem:s26], [sflag:$0x3], $0x2800, $0x38;
	[tilespmem:$0x1C800] =	vst v63  }
0x99: {  	s12 =	rddreg [dreg:$0xc]  }
0x9a: {  	[spmem:s12] =	stream.linear.scatter [tilespmem:s26], [sflag:$0x3], $0x2800, $0x38;
	[tilespmem:$0x1C800] =	vst v63  }
0x9b: {  	s21 =	rddreg [dreg:$0x15]  }
0x9c: {  	[spmem:s21] =	stream.linear.scatter [tilespmem:s26], [sflag:$0x3], $0x2800, $0x38;
	[tilespmem:$0x1C800] =	vst v63  }
0x9d: {  	_ =	swait.ge [sflag:s28], $0x2800  }
0x9e: {  	[sflag:s28] =	ssyncset.done $0x0  }
0x9f: {  	[sflag:s28] =	ssyncadd.s32 $0xFFFFD800  }
0xa0: {  	_ =	swait.ge [sflag:s28], $0x2800  }
0xa1: {  	[sflag:s28] =	ssyncset.done $0x0  }
0xa2: {  	[sflag:s28] =	ssyncadd.s32 $0xFFFFD800  }
0xa3: {  	_ =	swait.ge [sflag:s28], $0x2800  }
0xa4: {  	[sflag:s28] =	ssyncset.done $0x0  }
0xa5: {  	[sflag:s28] =	ssyncadd.s32 $0xFFFFD800  }
0xa6: {  	_ =	swait.ge [sflag:s28], $0x2800  }
0xa7: {  	[sflag:s28] =	ssyncset.done $0x0  }
0xa8: {  	[sflag:s28] =	ssyncadd.s32 $0xFFFFD800  }
0xa9: {  	_ =	swait.ge [sflag:s28], $0x2800  }
0xaa: {  	[sflag:s28] =	ssyncset.done $0x0  }
0xab: {  	[sflag:s28] =	ssyncadd.s32 $0xFFFFD800  }
0xac: {  	_ =	swait.ge [sflag:s28], $0x2800  }
0xad: {  	[sflag:s28] =	ssyncset.done $0x0  }
0xae: {  	[sflag:s28] =	ssyncadd.s32 $0xFFFFD800  }
0xaf: {  	_ =	swait.ge [sflag:s28], $0x2800  }
0xb0: {  	[sflag:s28] =	ssyncset.done $0x0  }
0xb1: {  	[sflag:s28] =	ssyncadd.s32 $0xFFFFD800  }
0xb2: {  	_ =	swait.ge [sflag:s28], $0x2800  }
0xb3: {  	[sflag:s28] =	ssyncset.done $0x0  }
0xb4: {  	s11 =	simm.s32 $0x0;
	[sflag:s28] =	ssyncadd.s32 $0xFFFFD800  }
0xb5: {  	[tilespmem:s26], [sflag:$0x1] =	stream.indirect.gather [hbm4b:s0+s29], $0x80, s11, s29, $0xb8;
	[tilespmem:$0x1C800] =	vst v63  }
0xb6: {  	_ = 	snop  }
0xb7: {  	[tilespmem:s31], [sflag:$0x2] =	stream.indirect.gather [hbm4b:s0+s29], $0x80, s30, s29, $0xb8;
	[tilespmem:$0x1C800] =	vst v63  }
0xb8: {  	[bflag:$0x0] =	sbarrier.arrive $0xFFFF  }
.LBB2_4:
0xb9: {  	s12 =	sadd.s32 s11, s24  }
0xba: {  	[tilespmem:s1], [sflag:$0x3] =	stream.linear.gather [hbm4b:s12+s4], $0x400, $0x38;
	[tilespmem:$0x1C800] =	vst v63  }
0xbb: {  	_ =	swait.ge [sflag:s2], $0x3E80  }
0xbc: {  	[sflag:s2] =	ssyncset.done $0x0  }
0xbd: {  	[sflag:s2] =	ssyncadd.s32 $0xFFFFC180  }
0xbe: {  	[spmem:s3] =	stream.indirect.scatter.add.f32 [tilespmem:s26], [sflag:$0x4], $0x80, s5, s29, $0xb8;
	[tilespmem:$0x1C800] =	vst v63  }
0xbf: {  	_ =	swait.ge [sflag:s25], $0x3E80  }
0xc0: {  	[sflag:s25] =	ssyncset.done $0x0  }
0xc1: {  	[sflag:s25] =	ssyncadd.s32 $0xFFFFC180  }
0xc2: {  	[tilespmem:s26], [sflag:$0x1] =	stream.indirect.gather [hbm4b:s0+s29], $0x80, s13, s29, $0xb8;
	[tilespmem:$0x1C800] =	vst v63  }
0xc3: {  	_ =	swait.ge [sflag:s14], $0x3E80  }
0xc4: {  	[sflag:s14] =	ssyncset.done $0x0  }
0xc5: {  	[sflag:s14] =	ssyncadd.s32 $0xFFFFC180  }
0xc6: {  	[spmem:s3] =	stream.indirect.scatter.add.f32 [tilespmem:s31], [sflag:$0x4], $0x80, s15, s29, $0xb8;
	[tilespmem:$0x1C800] =	vst v63  }
0xc7: {  	_ =	swait.ge [sflag:s25], $0x3E80  }
0xc8: {  	[sflag:s25] =	ssyncset.done $0x0  }
0xc9: {  	[sflag:s25] =	ssyncadd.s32 $0xFFFFC180  }
0xca: {  	[tilespmem:s31], [sflag:$0x2] =	stream.indirect.gather [hbm4b:s0+s29], $0x80, s16, s29, $0xb8;
	[tilespmem:$0x1C800] =	vst v63  }
0xcb: {  	_ =	swait.ge [sflag:s2], $0x3E80  }
0xcc: {  	[sflag:s2] =	ssyncset.done $0x0  }
0xcd: {  	[sflag:s2] =	ssyncadd.s32 $0xFFFFC180  }
0xce: {  	[spmem:s3] =	stream.indirect.scatter.add.f32 [tilespmem:s26], [sflag:$0x4], $0x80, s17, s29, $0xb8;
	[tilespmem:$0x1C800] =	vst v63  }
0xcf: {  	_ =	swait.ge [sflag:s25], $0x3E80  }
0xd0: {  	[sflag:s25] =	ssyncset.done $0x0  }
0xd1: {  	[sflag:s25] =	ssyncadd.s32 $0xFFFFC180  }
0xd2: {  	_ =	swait.ge [sflag:s28], $0x400  }
0xd3: {  	[sflag:s28] =	ssyncset.done $0x0  }
0xd4: {  	[sflag:s28] =	ssyncadd.s32 $0xFFFFFC00  }
0xd5: {  	[tilespmem:s26], [sflag:$0x1] =	stream.indirect.gather [hbm4b:s0+s29], $0x80, s1, s29, $0xb8;
	[tilespmem:$0x1C800] =	vst v63  }
0xd6: {  	_ =	swait.ge [sflag:s14], $0x3E80  }
0xd7: {  	[sflag:s14] =	ssyncset.done $0x0  }
0xd8: {  	[sflag:s14] =	ssyncadd.s32 $0xFFFFC180  }
0xd9: {  	[spmem:s3] =	stream.indirect.scatter.add.f32 [tilespmem:s31], [sflag:$0x4], $0x80, s18, s29, $0xb8;
	[tilespmem:$0x1C800] =	vst v63  }
0xda: {  	_ =	swait.ge [sflag:s25], $0x3E80  }
0xdb: {  	[sflag:s25] =	ssyncset.done $0x0  }
0xdc: {  	p0 =	seq.s32 s11, $0x900;
	[sflag:s25] =	ssyncadd.s32 $0xFFFFC180  }
0xdd: {  	[tilespmem:s31], [sflag:$0x2] =	stream.indirect.gather [hbm4b:s0+s29], $0x80, s19, s29, $0xb8;
	[tilespmem:$0x1C800] =	vst v63  }
0xde: {  	s12 =	sadd.s32 @!p0 s11, s23;
	s21 =	simm.s32 @!p0 $0x0  }
0xdf: {  	[tilespmem:s21], [sflag:$0x3] =	stream.linear.gather @!p0 [hbm4b:s12+s21], $0x400, $0x38;
	[tilespmem:$0x1C800] =	vst v63  }
0xe0: {  	_ =	swait.ge [sflag:s2], $0x3E80  }
0xe1: {  	[sflag:s2] =	ssyncset.done $0x0  }
0xe2: {  	[sflag:s2] =	ssyncadd.s32 $0xFFFFC180  }
0xe3: {  	[spmem:s3] =	stream.indirect.scatter.add.f32 [tilespmem:s26], [sflag:$0x4], $0x80, s20, s29, $0xb8;
	[tilespmem:$0x1C800] =	vst v63  }
0xe4: {  	_ =	swait.ge [sflag:s25], $0x3E80  }
0xe5: {  	[sflag:s25] =	ssyncset.done $0x0  }
0xe6: {  	[sflag:s25] =	ssyncadd.s32 $0xFFFFC180  }
0xe7: {  	[tilespmem:s26], [sflag:$0x1] =	stream.indirect.gather [hbm4b:s0+s29], $0x80, s22, s29, $0xb8;
	[tilespmem:$0x1C800] =	vst v63  }
0xe8: {  	_ =	swait.ge [sflag:s14], $0x3E80  }
0xe9: {  	[sflag:s14] =	ssyncset.done $0x0  }
0xea: {  	[sflag:s14] =	ssyncadd.s32 $0xFFFFC180  }
0xeb: {  	[spmem:s3] =	stream.indirect.scatter.add.f32 [tilespmem:s31], [sflag:$0x4], $0x80, s6, s29, $0xb8;
	[tilespmem:$0x1C800] =	vst v63  }
0xec: {  	_ =	swait.ge [sflag:s25], $0x3E80  }
0xed: {  	[sflag:s25] =	ssyncset.done $0x0  }
0xee: {  	[sflag:s25] =	ssyncadd.s32 $0xFFFFC180  }
0xef: {  	[tilespmem:s31], [sflag:$0x2] =	stream.indirect.gather [hbm4b:s0+s29], $0x80, s7, s29, $0xb8;
	[tilespmem:$0x1C800] =	vst v63  }
0xf0: {  	_ =	swait.ge [sflag:s2], $0x3E80  }
0xf1: {  	[sflag:s2] =	ssyncset.done $0x0  }
.Ltmp3:
0xf2: {  	[sflag:s2] =	ssyncadd.s32 $0xFFFFC180;
	(pc) =	sbr.rel @p0 .LBB2_6-.Ltmp3, $4  }
0xf3: {  	[spmem:s3] =	stream.indirect.scatter.add.f32 [tilespmem:s26], [sflag:$0x4], $0x80, s8, s29, $0xb8;
	[tilespmem:$0x1C800] =	vst v63  }
0xf4: {  	_ =	swait.ge [sflag:s25], $0x3E80  }
0xf5: {  	[sflag:s25] =	ssyncset.done $0x0  }
0xf6: {  	[sflag:s25] =	ssyncadd.s32 $0xFFFFC180  }
0xf7: {  	_ =	swait.ge [sflag:s28], $0x400  }
0xf8: {  	[sflag:s28] =	ssyncset.done $0x0  }
0xf9: {  	[sflag:s28] =	ssyncadd.s32 $0xFFFFFC00  }
0xfa: {  	[tilespmem:s26], [sflag:$0x1] =	stream.indirect.gather [hbm4b:s0+s29], $0x80, s4, s29, $0xb8;
	[tilespmem:$0x1C800] =	vst v63  }
0xfb: {  	_ =	swait.ge [sflag:s14], $0x3E80  }
0xfc: {  	[sflag:s14] =	ssyncset.done $0x0  }
0xfd: {  	[sflag:s14] =	ssyncadd.s32 $0xFFFFC180  }
0xfe: {  	[spmem:s3] =	stream.indirect.scatter.add.f32 [tilespmem:s31], [sflag:$0x4], $0x80, s9, s29, $0xb8;
	[tilespmem:$0x1C800] =	vst v63  }
.Ltmp4:
0xff: {  	_ = 	snop;
	(pc) =	sbr.rel .LBB2_4-.Ltmp4, $4  }
0x100: {  	_ =	swait.ge [sflag:s25], $0x3E80  }
0x101: {  	[sflag:s25] =	ssyncset.done $0x0  }
0x102: {  	s11 =	sadd.s32 $0x100, s11;
	[sflag:s25] =	ssyncadd.s32 $0xFFFFC180  }
0x103: {  	[tilespmem:s31], [sflag:$0x2] =	stream.indirect.gather [hbm4b:s0+s29], $0x80, s30, s29, $0xb8;
	[tilespmem:$0x1C800] =	vst v63  }
.LBB2_7:
0x104: {  	_ =	sfence.sel $0x180000  }
0x105: {  	[bflag:$0x0] =	sbarrier.arrive $0xFFFF  }
0x106: {  	_ =	strace $0x90000047  }
0x107: {  	s0 =	stileid.u32;
	[bflag:$0x2] =	sbarrier.arrive $0xFFFF  }
0x108: {  	p0 =	sne.s32 s0, $0x0;
	s0 =	rddreg [dreg:$0x4]  }
0x109: {  	s0 =	sadd.s32 @!p0 $0x100000, s0  }
0x10a: {  	[sflag:s0] =	ssyncadd.tile.s32 @!p0 $0x1;
	_ =	shalt  }
.Lfunc_end2:
_tile_overlayer_lowered:
.L_overlay_start_2:
0x10b: {  	(tag) =	ssettag $0x2  }
0x10c: {  	s0 =	rddreg [dreg:$0x0];
	s2 =	stileid.u32  }
0x10d: {  	s1 =	rddreg [dreg:$0x1];
	p0 =	sne.s32 s2, $0x0  }
0x10e: {  	s3 =	rddreg [dreg:$0x2];
	[bflag:$0x3] =	sbarrier.arrive $0xFFFF;
	s2 =	simm.s32 @!p0 $0x1C04  }
0x10f: {  	[timem:s3], [sflag:s2] =	dma.local @!p0 [hbm:s0], s1  }
0x110: {  	s0 =	simm.s32 @!p0 $0x4  }
0x111: {  	_ =	swait.ge @!p0 [sflag:s0], s1  }
0x112: {  	s1 =	ssub.s32 @!p0 $0x0, s1;
	[sflag:s0] =	ssyncset.done @!p0 $0x0  }
0x113: {  	[sflag:s0] =	ssyncadd.s32 @!p0 s1  }
0x114: {  	[bflag:$0x3] =	sbarrier.arrive $0xFFFF  }
0x115: {  	_ =	shalt  }

</sc_bundles>
